<compile_context>
chip_gen: v7x
topology: tpu7x:2x2x1
jax: 0.10.2.dev20260603
libtpu: 0.0.44.dev20260713+nightly
codegen_flags: <defaults>
</compile_context>

<pallas_src>
import jax
import jax.numpy as jnp
from jax import lax
from jax.experimental import pallas as pl
from jax.experimental.pallas import tpu as pltpu
from jax.experimental.pallas import tpu_sc as plsc

_VOCAB = 100
_VPAD = 128
_D = 128
_B = 16384
_K = 20
_NC = 2
_NS = 16
_NW = _NC * _NS
_BPW = _B // _NW
_L = 16
_UNROLL = 8

_LN2 = 0.6931471805599453
_SQRT2 = 1.4142135623730951


def _matmul_body(wh_ref, wo_ref, s_ref):
    wh = jnp.pad(wh_ref[...], ((0, _VPAD - _VOCAB), (0, 0)))
    wo = jnp.pad(wo_ref[...], ((0, _VPAD - _VOCAB), (0, 0)))
    s_ref[...] = lax.dot_general(
        wh, wo,
        dimension_numbers=(((1,), (1,)), ((), ())),
        preferred_element_type=jnp.float32)


def _log1p_exp(x):
    v = 1.0 + jnp.exp(x)
    i = plsc.bitcast(v, jnp.int32)
    e = lax.shift_right_arithmetic(i, 23) - 127
    m = plsc.bitcast((i & 0x007FFFFF) | 0x3F800000, jnp.float32)
    big = m > _SQRT2
    m = jnp.where(big, m * 0.5, m)
    e = jnp.where(big, e + 1, e)
    z = (m - 1.0) / (m + 1.0)
    z2 = z * z
    poly = 1.0 + z2 * (1.0 / 3.0 + z2 * (1.0 / 5.0 + z2 * (1.0 / 7.0 + z2 * (1.0 / 9.0))))
    return e.astype(jnp.float32) * _LN2 + 2.0 * z * poly


def _sc_body(s_hbm, t_hbm, c_hbm, n_hbm, o_hbm,
             s_v, t_v, c_v, n_v, acc_v,
             sem0, sem1, sem2, sem3):
    cid = lax.axis_index("c")
    sid = lax.axis_index("s")
    wid = sid * _NC + cid
    base = wid * _BPW
    cp0 = pltpu.async_copy(s_hbm, s_v, sem0)
    cp1 = pltpu.async_copy(t_hbm.at[pl.ds(base, _BPW)], t_v, sem1)
    cp2 = pltpu.async_copy(c_hbm.at[pl.ds(base, _BPW)], c_v, sem2)
    cps = [pltpu.async_copy(n_hbm.at[k, pl.ds(base, _BPW)],
                            n_v.at[pl.ds(k * _BPW, _BPW)], sem3)
           for k in range(_K)]
    cp0.wait()
    cp1.wait()
    cp2.wait()
    for cp in cps:
        cp.wait()
    iota = lax.iota(jnp.int32, _L)
    zero = jnp.zeros((_L,), jnp.float32)

    @plsc.parallel_loop(0, _BPW // _L, step=1, unroll=_UNROLL, carry=zero)
    def _step(j, acc):
        row0 = j * _L
        trow = t_v[pl.ds(row0, _L)] * _VPAD
        cv = c_v[pl.ds(row0, _L)]
        pvec = plsc.load_gather(s_v, [trow + cv])
        rows = row0 + iota

        def g(k):
            nk = plsc.load_gather(n_v, [k * _BPW + rows])
            return plsc.load_gather(s_v, [trow + nk])

        qaccs = [g(k) for k in range(4)]
        for k in range(4, _K, 4):
            for a in range(4):
                qaccs[a] = qaccs[a] + g(k + a)
        qvec = (qaccs[0] + qaccs[1]) + (qaccs[2] + qaccs[3])
        return acc + (_log1p_exp(-pvec) + _log1p_exp(qvec))

    acc_v[...] = _step * (1.0 / _B)
    pltpu.sync_copy(acc_v, o_hbm.at[pl.ds(wid * _L, _L)])


_sc_loss = pl.kernel(
    _sc_body,
    mesh=plsc.VectorSubcoreMesh(core_axis_name="c", subcore_axis_name="s"),
    compiler_params=pltpu.CompilerParams(needs_layout_passes=False),
    out_type=jax.ShapeDtypeStruct((_NW * _L,), jnp.float32),
    scratch_types=[
        pltpu.VMEM((_VPAD * _VPAD,), jnp.float32),
        pltpu.VMEM((_BPW,), jnp.int32),
        pltpu.VMEM((_BPW,), jnp.int32),
        pltpu.VMEM((_BPW * _K,), jnp.int32),
        pltpu.VMEM((_L,), jnp.float32),
        pltpu.SemaphoreType.DMA,
        pltpu.SemaphoreType.DMA,
        pltpu.SemaphoreType.DMA,
        pltpu.SemaphoreType.DMA,
    ],
)


def kernel(targets_1_pos, contexts_1_pos, contexts_0_pos_samples, W_hidden, W_output):
    f32 = jnp.float32
    nt = contexts_0_pos_samples.astype(jnp.int32).T
    s_mat = pl.pallas_call(
        _matmul_body,
        out_shape=jax.ShapeDtypeStruct((_VPAD, _VPAD), f32),
    )(W_hidden.astype(f32), W_output.astype(f32))
    t = targets_1_pos.astype(jnp.int32)
    c = contexts_1_pos.astype(jnp.int32)
    partials = _sc_loss(s_mat.reshape(-1), t, c, nt)
    return jnp.sum(partials).reshape(1)

# --- scband reference (transcript-rebuilt; emitter-appended) ---
"""Pipeline reference for scband-skip-gram-model-87746181857409 (READ-ONLY COPY).

The authoritative reference and input builder live on the scoring server;
editing this copy changes nothing except your own understanding.
"""

import jax, jax.numpy as jnp
import numpy as np

VOCAB = 100
EMBED_DIM = 128
BATCH = 16384
NUM_NEG = 20

def setup_inputs(seed: int = 0):
    key = jax.random.key(seed)
    k1, k2, k3, k4, k5 = jax.random.split(key, 5)
    targets_1_pos = jax.random.randint(k1, (BATCH,), 0, VOCAB)
    contexts_1_pos = jax.random.randint(k2, (BATCH,), 0, VOCAB)
    contexts_0_pos_samples = jax.random.randint(k3, (BATCH, NUM_NEG), 0, VOCAB)
    init_range = 0.5 / EMBED_DIM
    W_hidden = jax.random.uniform(k4, (VOCAB, EMBED_DIM), minval=-init_range, maxval=init_range, dtype=jnp.float32)
    W_output = jax.random.uniform(k5, (VOCAB, EMBED_DIM), minval=-init_range, maxval=init_range, dtype=jnp.float32)
    return {"targets_1_pos": targets_1_pos, "contexts_1_pos": contexts_1_pos, "contexts_0_pos_samples": contexts_0_pos_samples, "W_hidden": W_hidden, "W_output": W_output}

def reference(targets_1_pos, contexts_1_pos, contexts_0_pos_samples, W_hidden, W_output):
    # embedding gathers (SparseCore-friendly)
    h = jnp.take(W_hidden, targets_1_pos, axis=0)            # [B, D]
    o = jnp.take(W_output, contexts_1_pos, axis=0)           # [B, D]
    score_pos = jax.nn.log_sigmoid(jnp.sum(h * o, axis=1))   # [B]
    loss_pos = jnp.sum(score_pos)
    neg_w = jnp.take(W_output, contexts_0_pos_samples, axis=0)  # [B, K, D]
    score_neg = jnp.squeeze(jnp.matmul(neg_w, h[:, :, None]), axis=2)  # [B, K] (bmm)
    score_neg = jnp.sum(score_neg, axis=1, keepdims=True)    # [B, 1] (sum over K before logsigmoid, as in original)
    score_neg = jax.nn.log_sigmoid(-1.0 * score_neg)         # [B, 1]
    loss_neg = jnp.sum(score_neg, axis=0)                    # [1]
    total = -1.0 * (loss_pos + loss_neg) / targets_1_pos.shape[0]  # [1]
    return total

if __name__ == "__main__":
    import jax
    _d = setup_inputs()
    print(jax.jit(kernel)(*tuple(_d.values())))

</pallas_src>

<mosaic_0001>
#map = affine_map<(d0, d1) -> (0)>
#map1 = affine_map<(d0, d1) -> (0, 0)>
module attributes {stable_mosaic.version = 14 : i64} {
  func.func @_sc_body(%arg0: i32, %arg1: i32, %arg2: memref<16384xf32, #tpu.memory_space<hbm>>, %arg3: memref<16384xi32, #tpu.memory_space<hbm>>, %arg4: memref<16384xi32, #tpu.memory_space<hbm>>, %arg5: memref<20x16384xi32, #tpu.memory_space<hbm>>, %arg6: memref<512xf32, #tpu.memory_space<hbm>>, %arg7: memref<16384xf32, #tpu.memory_space<vmem>>, %arg8: memref<512xi32, #tpu.memory_space<vmem>>, %arg9: memref<512xi32, #tpu.memory_space<vmem>>, %arg10: memref<10240xi32, #tpu.memory_space<vmem>>, %arg11: memref<16xf32, #tpu.memory_space<vmem>>, %arg12: memref<!tpu.dma_semaphore, #tpu.memory_space<semaphore_mem>>, %arg13: memref<!tpu.dma_semaphore, #tpu.memory_space<semaphore_mem>>, %arg14: memref<!tpu.dma_semaphore, #tpu.memory_space<semaphore_mem>>, %arg15: memref<!tpu.dma_semaphore, #tpu.memory_space<semaphore_mem>>) attributes {dimension_semantics = [#tpu.dimension_semantics<core_parallel>, #tpu.dimension_semantics<subcore_parallel>], iteration_bounds = array<i64: 2, 16>, scalar_prefetch = 0 : i64, scratch_operands = 9 : i64, tpu.core_type = #tpu.core_type<sc_vector_subcore>, window_params = [{transform_indices = #map}, {transform_indices = #map}, {transform_indices = #map}, {transform_indices = #map1}, {transform_indices = #map}]} {
    %mul3A = arith.constant 2 : i32
    %mul3A_0 = arith.muli %arg1, %mul3A : i32
    %add3A = arith.addi %mul3A_0, %arg0 : i32
    %mul3A_1 = arith.constant 512 : i32
    %mul3A_2 = arith.muli %add3A, %mul3A_1 : i32
    tpu.enqueue_dma source(%arg2 : memref<16384xf32, #tpu.memory_space<hbm>>) target(%arg7 : memref<16384xf32, #tpu.memory_space<vmem>>) target_semaphore(%arg12 : memref<!tpu.dma_semaphore, #tpu.memory_space<semaphore_mem>>)
    %dma_start3A = tpu.memref_slice %arg3[%mul3A_2] : memref<16384xi32, #tpu.memory_space<hbm>> -> memref<512xi32, #tpu.memory_space<hbm>>
    %dma_start3A_3 = tpu.memref_slice %arg3[%mul3A_2] : memref<16384xi32, #tpu.memory_space<hbm>> -> memref<512xi32, #tpu.memory_space<hbm>>
    tpu.enqueue_dma source(%dma_start3A_3 : memref<512xi32, #tpu.memory_space<hbm>>) target(%arg8 : memref<512xi32, #tpu.memory_space<vmem>>) target_semaphore(%arg13 : memref<!tpu.dma_semaphore, #tpu.memory_space<semaphore_mem>>)
    %dma_start3A_4 = tpu.memref_slice %arg4[%mul3A_2] : memref<16384xi32, #tpu.memory_space<hbm>> -> memref<512xi32, #tpu.memory_space<hbm>>
    %dma_start3A_5 = tpu.memref_slice %arg4[%mul3A_2] : memref<16384xi32, #tpu.memory_space<hbm>> -> memref<512xi32, #tpu.memory_space<hbm>>
    tpu.enqueue_dma source(%dma_start3A_5 : memref<512xi32, #tpu.memory_space<hbm>>) target(%arg9 : memref<512xi32, #tpu.memory_space<vmem>>) target_semaphore(%arg14 : memref<!tpu.dma_semaphore, #tpu.memory_space<semaphore_mem>>)
    %dma_start3A_6 = arith.constant 0 : i32
    %dma_start3A_7 = arith.constant 0 : i32
    %dma_start3A_8 = tpu.memref_slice %arg10[%dma_start3A_7] : memref<10240xi32, #tpu.memory_space<vmem>> -> memref<512xi32, #tpu.memory_space<vmem>>
    %dma_start3A_9 = tpu.memref_slice %arg5[%dma_start3A_6, %mul3A_2] : memref<20x16384xi32, #tpu.memory_space<hbm>> -> memref<1x512xi32, #tpu.memory_space<hbm>>
    %dma_start3A_10 = tpu.memref_squeeze %dma_start3A_9 : memref<1x512xi32, #tpu.memory_space<hbm>> -> memref<512xi32, #tpu.memory_space<hbm>>
    %dma_start3A_11 = arith.constant 0 : i32
    %dma_start3A_12 = tpu.memref_slice %arg10[%dma_start3A_11] : memref<10240xi32, #tpu.memory_space<vmem>> -> memref<512xi32, #tpu.memory_space<vmem>>
    %dma_start3A_13 = tpu.memref_slice %arg5[%dma_start3A_6, %mul3A_2] : memref<20x16384xi32, #tpu.memory_space<hbm>> -> memref<1x512xi32, #tpu.memory_space<hbm>>
    %dma_start3A_14 = tpu.memref_squeeze %dma_start3A_13 : memref<1x512xi32, #tpu.memory_space<hbm>> -> memref<512xi32, #tpu.memory_space<hbm>>
    tpu.enqueue_dma source(%dma_start3A_14 : memref<512xi32, #tpu.memory_space<hbm>>) target(%dma_start3A_12 : memref<512xi32, #tpu.memory_space<vmem>>) target_semaphore(%arg15 : memref<!tpu.dma_semaphore, #tpu.memory_space<semaphore_mem>>)
    %dma_start3A_15 = arith.constant 1 : i32
    %dma_start3A_16 = arith.constant 512 : i32
    %dma_start3A_17 = tpu.memref_slice %arg10[%dma_start3A_16] : memref<10240xi32, #tpu.memory_space<vmem>> -> memref<512xi32, #tpu.memory_space<vmem>>
    %dma_start3A_18 = tpu.memref_slice %arg5[%dma_start3A_15, %mul3A_2] : memref<20x16384xi32, #tpu.memory_space<hbm>> -> memref<1x512xi32, #tpu.memory_space<hbm>>
    %dma_start3A_19 = tpu.memref_squeeze %dma_start3A_18 : memref<1x512xi32, #tpu.memory_space<hbm>> -> memref<512xi32, #tpu.memory_space<hbm>>
    %dma_start3A_20 = arith.constant 512 : i32
    %dma_start3A_21 = tpu.memref_slice %arg10[%dma_start3A_20] : memref<10240xi32, #tpu.memory_space<vmem>> -> memref<512xi32, #tpu.memory_space<vmem>>
    %dma_start3A_22 = tpu.memref_slice %arg5[%dma_start3A_15, %mul3A_2] : memref<20x16384xi32, #tpu.memory_space<hbm>> -> memref<1x512xi32, #tpu.memory_space<hbm>>
    %dma_start3A_23 = tpu.memref_squeeze %dma_start3A_22 : memref<1x512xi32, #tpu.memory_space<hbm>> -> memref<512xi32, #tpu.memory_space<hbm>>
    tpu.enqueue_dma source(%dma_start3A_23 : memref<512xi32, #tpu.memory_space<hbm>>) target(%dma_start3A_21 : memref<512xi32, #tpu.memory_space<vmem>>) target_semaphore(%arg15 : memref<!tpu.dma_semaphore, #tpu.memory_space<semaphore_mem>>)
    %dma_start3A_24 = arith.constant 2 : i32
    %dma_start3A_25 = arith.constant 1024 : i32
    %dma_start3A_26 = tpu.memref_slice %arg10[%dma_start3A_25] : memref<10240xi32, #tpu.memory_space<vmem>> -> memref<512xi32, #tpu.memory_space<vmem>>
    %dma_start3A_27 = tpu.memref_slice %arg5[%dma_start3A_24, %mul3A_2] : memref<20x16384xi32, #tpu.memory_space<hbm>> -> memref<1x512xi32, #tpu.memory_space<hbm>>
    %dma_start3A_28 = tpu.memref_squeeze %dma_start3A_27 : memref<1x512xi32, #tpu.memory_space<hbm>> -> memref<512xi32, #tpu.memory_space<hbm>>
    %dma_start3A_29 = arith.constant 1024 : i32
    %dma_start3A_30 = tpu.memref_slice %arg10[%dma_start3A_29] : memref<10240xi32, #tpu.memory_space<vmem>> -> memref<512xi32, #tpu.memory_space<vmem>>
    %dma_start3A_31 = tpu.memref_slice %arg5[%dma_start3A_24, %mul3A_2] : memref<20x16384xi32, #tpu.memory_space<hbm>> -> memref<1x512xi32, #tpu.memory_space<hbm>>
    %dma_start3A_32 = tpu.memref_squeeze %dma_start3A_31 : memref<1x512xi32, #tpu.memory_space<hbm>> -> memref<512xi32, #tpu.memory_space<hbm>>
    tpu.enqueue_dma source(%dma_start3A_32 : memref<512xi32, #tpu.memory_space<hbm>>) target(%dma_start3A_30 : memref<512xi32, #tpu.memory_space<vmem>>) target_semaphore(%arg15 : memref<!tpu.dma_semaphore, #tpu.memory_space<semaphore_mem>>)
    %dma_start3A_33 = arith.constant 3 : i32
    %dma_start3A_34 = arith.constant 1536 : i32
    %dma_start3A_35 = tpu.memref_slice %arg10[%dma_start3A_34] : memref<10240xi32, #tpu.memory_space<vmem>> -> memref<512xi32, #tpu.memory_space<vmem>>
    %dma_start3A_36 = tpu.memref_slice %arg5[%dma_start3A_33, %mul3A_2] : memref<20x16384xi32, #tpu.memory_space<hbm>> -> memref<1x512xi32, #tpu.memory_space<hbm>>
    %dma_start3A_37 = tpu.memref_squeeze %dma_start3A_36 : memref<1x512xi32, #tpu.memory_space<hbm>> -> memref<512xi32, #tpu.memory_space<hbm>>
    %dma_start3A_38 = arith.constant 1536 : i32
    %dma_start3A_39 = tpu.memref_slice %arg10[%dma_start3A_38] : memref<10240xi32, #tpu.memory_space<vmem>> -> memref<512xi32, #tpu.memory_space<vmem>>
    %dma_start3A_40 = tpu.memref_slice %arg5[%dma_start3A_33, %mul3A_2] : memref<20x16384xi32, #tpu.memory_space<hbm>> -> memref<1x512xi32, #tpu.memory_space<hbm>>
    %dma_start3A_41 = tpu.memref_squeeze %dma_start3A_40 : memref<1x512xi32, #tpu.memory_space<hbm>> -> memref<512xi32, #tpu.memory_space<hbm>>
    tpu.enqueue_dma source(%dma_start3A_41 : memref<512xi32, #tpu.memory_space<hbm>>) target(%dma_start3A_39 : memref<512xi32, #tpu.memory_space<vmem>>) target_semaphore(%arg15 : memref<!tpu.dma_semaphore, #tpu.memory_space<semaphore_mem>>)
    %dma_start3A_42 = arith.constant 4 : i32
    %dma_start3A_43 = arith.constant 2048 : i32
    %dma_start3A_44 = tpu.memref_slice %arg10[%dma_start3A_43] : memref<10240xi32, #tpu.memory_space<vmem>> -> memref<512xi32, #tpu.memory_space<vmem>>
    %dma_start3A_45 = tpu.memref_slice %arg5[%dma_start3A_42, %mul3A_2] : memref<20x16384xi32, #tpu.memory_space<hbm>> -> memref<1x512xi32, #tpu.memory_space<hbm>>
    %dma_start3A_46 = tpu.memref_squeeze %dma_start3A_45 : memref<1x512xi32, #tpu.memory_space<hbm>> -> memref<512xi32, #tpu.memory_space<hbm>>
    %dma_start3A_47 = arith.constant 2048 : i32
    %dma_start3A_48 = tpu.memref_slice %arg10[%dma_start3A_47] : memref<10240xi32, #tpu.memory_space<vmem>> -> memref<512xi32, #tpu.memory_space<vmem>>
    %dma_start3A_49 = tpu.memref_slice %arg5[%dma_start3A_42, %mul3A_2] : memref<20x16384xi32, #tpu.memory_space<hbm>> -> memref<1x512xi32, #tpu.memory_space<hbm>>
    %dma_start3A_50 = tpu.memref_squeeze %dma_start3A_49 : memref<1x512xi32, #tpu.memory_space<hbm>> -> memref<512xi32, #tpu.memory_space<hbm>>
    tpu.enqueue_dma source(%dma_start3A_50 : memref<512xi32, #tpu.memory_space<hbm>>) target(%dma_start3A_48 : memref<512xi32, #tpu.memory_space<vmem>>) target_semaphore(%arg15 : memref<!tpu.dma_semaphore, #tpu.memory_space<semaphore_mem>>)
    %dma_start3A_51 = arith.constant 5 : i32
    %dma_start3A_52 = arith.constant 2560 : i32
    %dma_start3A_53 = tpu.memref_slice %arg10[%dma_start3A_52] : memref<10240xi32, #tpu.memory_space<vmem>> -> memref<512xi32, #tpu.memory_space<vmem>>
    %dma_start3A_54 = tpu.memref_slice %arg5[%dma_start3A_51, %mul3A_2] : memref<20x16384xi32, #tpu.memory_space<hbm>> -> memref<1x512xi32, #tpu.memory_space<hbm>>
    %dma_start3A_55 = tpu.memref_squeeze %dma_start3A_54 : memref<1x512xi32, #tpu.memory_space<hbm>> -> memref<512xi32, #tpu.memory_space<hbm>>
    %dma_start3A_56 = arith.constant 2560 : i32
    %dma_start3A_57 = tpu.memref_slice %arg10[%dma_start3A_56] : memref<10240xi32, #tpu.memory_space<vmem>> -> memref<512xi32, #tpu.memory_space<vmem>>
    %dma_start3A_58 = tpu.memref_slice %arg5[%dma_start3A_51, %mul3A_2] : memref<20x16384xi32, #tpu.memory_space<hbm>> -> memref<1x512xi32, #tpu.memory_space<hbm>>
    %dma_start3A_59 = tpu.memref_squeeze %dma_start3A_58 : memref<1x512xi32, #tpu.memory_space<hbm>> -> memref<512xi32, #tpu.memory_space<hbm>>
    tpu.enqueue_dma source(%dma_start3A_59 : memref<512xi32, #tpu.memory_space<hbm>>) target(%dma_start3A_57 : memref<512xi32, #tpu.memory_space<vmem>>) target_semaphore(%arg15 : memref<!tpu.dma_semaphore, #tpu.memory_space<semaphore_mem>>)
    %dma_start3A_60 = arith.constant 6 : i32
    %dma_start3A_61 = arith.constant 3072 : i32
    %dma_start3A_62 = tpu.memref_slice %arg10[%dma_start3A_61] : memref<10240xi32, #tpu.memory_space<vmem>> -> memref<512xi32, #tpu.memory_space<vmem>>
    %dma_start3A_63 = tpu.memref_slice %arg5[%dma_start3A_60, %mul3A_2] : memref<20x16384xi32, #tpu.memory_space<hbm>> -> memref<1x512xi32, #tpu.memory_space<hbm>>
    %dma_start3A_64 = tpu.memref_squeeze %dma_start3A_63 : memref<1x512xi32, #tpu.memory_space<hbm>> -> memref<512xi32, #tpu.memory_space<hbm>>
    %dma_start3A_65 = arith.constant 3072 : i32
    %dma_start3A_66 = tpu.memref_slice %arg10[%dma_start3A_65] : memref<10240xi32, #tpu.memory_space<vmem>> -> memref<512xi32, #tpu.memory_space<vmem>>
    %dma_start3A_67 = tpu.memref_slice %arg5[%dma_start3A_60, %mul3A_2] : memref<20x16384xi32, #tpu.memory_space<hbm>> -> memref<1x512xi32, #tpu.memory_space<hbm>>
    %dma_start3A_68 = tpu.memref_squeeze %dma_start3A_67 : memref<1x512xi32, #tpu.memory_space<hbm>> -> memref<512xi32, #tpu.memory_space<hbm>>
    tpu.enqueue_dma source(%dma_start3A_68 : memref<512xi32, #tpu.memory_space<hbm>>) target(%dma_start3A_66 : memref<512xi32, #tpu.memory_space<vmem>>) target_semaphore(%arg15 : memref<!tpu.dma_semaphore, #tpu.memory_space<semaphore_mem>>)
    %dma_start3A_69 = arith.constant 7 : i32
    %dma_start3A_70 = arith.constant 3584 : i32
    %dma_start3A_71 = tpu.memref_slice %arg10[%dma_start3A_70] : memref<10240xi32, #tpu.memory_space<vmem>> -> memref<512xi32, #tpu.memory_space<vmem>>
    %dma_start3A_72 = tpu.memref_slice %arg5[%dma_start3A_69, %mul3A_2] : memref<20x16384xi32, #tpu.memory_space<hbm>> -> memref<1x512xi32, #tpu.memory_space<hbm>>
    %dma_start3A_73 = tpu.memref_squeeze %dma_start3A_72 : memref<1x512xi32, #tpu.memory_space<hbm>> -> memref<512xi32, #tpu.memory_space<hbm>>
    %dma_start3A_74 = arith.constant 3584 : i32
    %dma_start3A_75 = tpu.memref_slice %arg10[%dma_start3A_74] : memref<10240xi32, #tpu.memory_space<vmem>> -> memref<512xi32, #tpu.memory_space<vmem>>
    %dma_start3A_76 = tpu.memref_slice %arg5[%dma_start3A_69, %mul3A_2] : memref<20x16384xi32, #tpu.memory_space<hbm>> -> memref<1x512xi32, #tpu.memory_space<hbm>>
    %dma_start3A_77 = tpu.memref_squeeze %dma_start3A_76 : memref<1x512xi32, #tpu.memory_space<hbm>> -> memref<512xi32, #tpu.memory_space<hbm>>
    tpu.enqueue_dma source(%dma_start3A_77 : memref<512xi32, #tpu.memory_space<hbm>>) target(%dma_start3A_75 : memref<512xi32, #tpu.memory_space<vmem>>) target_semaphore(%arg15 : memref<!tpu.dma_semaphore, #tpu.memory_space<semaphore_mem>>)
    %dma_start3A_78 = arith.constant 8 : i32
    %dma_start3A_79 = arith.constant 4096 : i32
    %dma_start3A_80 = tpu.memref_slice %arg10[%dma_start3A_79] : memref<10240xi32, #tpu.memory_space<vmem>> -> memref<512xi32, #tpu.memory_space<vmem>>
    %dma_start3A_81 = tpu.memref_slice %arg5[%dma_start3A_78, %mul3A_2] : memref<20x16384xi32, #tpu.memory_space<hbm>> -> memref<1x512xi32, #tpu.memory_space<hbm>>
    %dma_start3A_82 = tpu.memref_squeeze %dma_start3A_81 : memref<1x512xi32, #tpu.memory_space<hbm>> -> memref<512xi32, #tpu.memory_space<hbm>>
    %dma_start3A_83 = arith.constant 4096 : i32
    %dma_start3A_84 = tpu.memref_slice %arg10[%dma_start3A_83] : memref<10240xi32, #tpu.memory_space<vmem>> -> memref<512xi32, #tpu.memory_space<vmem>>
    %dma_start3A_85 = tpu.memref_slice %arg5[%dma_start3A_78, %mul3A_2] : memref<20x16384xi32, #tpu.memory_space<hbm>> -> memref<1x512xi32, #tpu.memory_space<hbm>>
    %dma_start3A_86 = tpu.memref_squeeze %dma_start3A_85 : memref<1x512xi32, #tpu.memory_space<hbm>> -> memref<512xi32, #tpu.memory_space<hbm>>
    tpu.enqueue_dma source(%dma_start3A_86 : memref<512xi32, #tpu.memory_space<hbm>>) target(%dma_start3A_84 : memref<512xi32, #tpu.memory_space<vmem>>) target_semaphore(%arg15 : memref<!tpu.dma_semaphore, #tpu.memory_space<semaphore_mem>>)
    %dma_start3A_87 = arith.constant 9 : i32
    %dma_start3A_88 = arith.constant 4608 : i32
    %dma_start3A_89 = tpu.memref_slice %arg10[%dma_start3A_88] : memref<10240xi32, #tpu.memory_space<vmem>> -> memref<512xi32, #tpu.memory_space<vmem>>
    %dma_start3A_90 = tpu.memref_slice %arg5[%dma_start3A_87, %mul3A_2] : memref<20x16384xi32, #tpu.memory_space<hbm>> -> memref<1x512xi32, #tpu.memory_space<hbm>>
    %dma_start3A_91 = tpu.memref_squeeze %dma_start3A_90 : memref<1x512xi32, #tpu.memory_space<hbm>> -> memref<512xi32, #tpu.memory_space<hbm>>
    %dma_start3A_92 = arith.constant 4608 : i32
    %dma_start3A_93 = tpu.memref_slice %arg10[%dma_start3A_92] : memref<10240xi32, #tpu.memory_space<vmem>> -> memref<512xi32, #tpu.memory_space<vmem>>
    %dma_start3A_94 = tpu.memref_slice %arg5[%dma_start3A_87, %mul3A_2] : memref<20x16384xi32, #tpu.memory_space<hbm>> -> memref<1x512xi32, #tpu.memory_space<hbm>>
    %dma_start3A_95 = tpu.memref_squeeze %dma_start3A_94 : memref<1x512xi32, #tpu.memory_space<hbm>> -> memref<512xi32, #tpu.memory_space<hbm>>
    tpu.enqueue_dma source(%dma_start3A_95 : memref<512xi32, #tpu.memory_space<hbm>>) target(%dma_start3A_93 : memref<512xi32, #tpu.memory_space<vmem>>) target_semaphore(%arg15 : memref<!tpu.dma_semaphore, #tpu.memory_space<semaphore_mem>>)
    %dma_start3A_96 = arith.constant 10 : i32
    %dma_start3A_97 = arith.constant 5120 : i32
    %dma_start3A_98 = tpu.memref_slice %arg10[%dma_start3A_97] : memref<10240xi32, #tpu.memory_space<vmem>> -> memref<512xi32, #tpu.memory_space<vmem>>
    %dma_start3A_99 = tpu.memref_slice %arg5[%dma_start3A_96, %mul3A_2] : memref<20x16384xi32, #tpu.memory_space<hbm>> -> memref<1x512xi32, #tpu.memory_space<hbm>>
    %dma_start3A_100 = tpu.memref_squeeze %dma_start3A_99 : memref<1x512xi32, #tpu.memory_space<hbm>> -> memref<512xi32, #tpu.memory_space<hbm>>
    %dma_start3A_101 = arith.constant 5120 : i32
    %dma_start3A_102 = tpu.memref_slice %arg10[%dma_start3A_101] : memref<10240xi32, #tpu.memory_space<vmem>> -> memref<512xi32, #tpu.memory_space<vmem>>
    %dma_start3A_103 = tpu.memref_slice %arg5[%dma_start3A_96, %mul3A_2] : memref<20x16384xi32, #tpu.memory_space<hbm>> -> memref<1x512xi32, #tpu.memory_space<hbm>>
    %dma_start3A_104 = tpu.memref_squeeze %dma_start3A_103 : memref<1x512xi32, #tpu.memory_space<hbm>> -> memref<512xi32, #tpu.memory_space<hbm>>
    tpu.enqueue_dma source(%dma_start3A_104 : memref<512xi32, #tpu.memory_space<hbm>>) target(%dma_start3A_102 : memref<512xi32, #tpu.memory_space<vmem>>) target_semaphore(%arg15 : memref<!tpu.dma_semaphore, #tpu.memory_space<semaphore_mem>>)
    %dma_start3A_105 = arith.constant 11 : i32
    %dma_start3A_106 = arith.constant 5632 : i32
    %dma_start3A_107 = tpu.memref_slice %arg10[%dma_start3A_106] : memref<10240xi32, #tpu.memory_space<vmem>> -> memref<512xi32, #tpu.memory_space<vmem>>
    %dma_start3A_108 = tpu.memref_slice %arg5[%dma_start3A_105, %mul3A_2] : memref<20x16384xi32, #tpu.memory_space<hbm>> -> memref<1x512xi32, #tpu.memory_space<hbm>>
    %dma_start3A_109 = tpu.memref_squeeze %dma_start3A_108 : memref<1x512xi32, #tpu.memory_space<hbm>> -> memref<512xi32, #tpu.memory_space<hbm>>
    %dma_start3A_110 = arith.constant 5632 : i32
    %dma_start3A_111 = tpu.memref_slice %arg10[%dma_start3A_110] : memref<10240xi32, #tpu.memory_space<vmem>> -> memref<512xi32, #tpu.memory_space<vmem>>
    %dma_start3A_112 = tpu.memref_slice %arg5[%dma_start3A_105, %mul3A_2] : memref<20x16384xi32, #tpu.memory_space<hbm>> -> memref<1x512xi32, #tpu.memory_space<hbm>>
    %dma_start3A_113 = tpu.memref_squeeze %dma_start3A_112 : memref<1x512xi32, #tpu.memory_space<hbm>> -> memref<512xi32, #tpu.memory_space<hbm>>
    tpu.enqueue_dma source(%dma_start3A_113 : memref<512xi32, #tpu.memory_space<hbm>>) target(%dma_start3A_111 : memref<512xi32, #tpu.memory_space<vmem>>) target_semaphore(%arg15 : memref<!tpu.dma_semaphore, #tpu.memory_space<semaphore_mem>>)
    %dma_start3A_114 = arith.constant 12 : i32
    %dma_start3A_115 = arith.constant 6144 : i32
    %dma_start3A_116 = tpu.memref_slice %arg10[%dma_start3A_115] : memref<10240xi32, #tpu.memory_space<vmem>> -> memref<512xi32, #tpu.memory_space<vmem>>
    %dma_start3A_117 = tpu.memref_slice %arg5[%dma_start3A_114, %mul3A_2] : memref<20x16384xi32, #tpu.memory_space<hbm>> -> memref<1x512xi32, #tpu.memory_space<hbm>>
    %dma_start3A_118 = tpu.memref_squeeze %dma_start3A_117 : memref<1x512xi32, #tpu.memory_space<hbm>> -> memref<512xi32, #tpu.memory_space<hbm>>
    %dma_start3A_119 = arith.constant 6144 : i32
    %dma_start3A_120 = tpu.memref_slice %arg10[%dma_start3A_119] : memref<10240xi32, #tpu.memory_space<vmem>> -> memref<512xi32, #tpu.memory_space<vmem>>
    %dma_start3A_121 = tpu.memref_slice %arg5[%dma_start3A_114, %mul3A_2] : memref<20x16384xi32, #tpu.memory_space<hbm>> -> memref<1x512xi32, #tpu.memory_space<hbm>>
    %dma_start3A_122 = tpu.memref_squeeze %dma_start3A_121 : memref<1x512xi32, #tpu.memory_space<hbm>> -> memref<512xi32, #tpu.memory_space<hbm>>
    tpu.enqueue_dma source(%dma_start3A_122 : memref<512xi32, #tpu.memory_space<hbm>>) target(%dma_start3A_120 : memref<512xi32, #tpu.memory_space<vmem>>) target_semaphore(%arg15 : memref<!tpu.dma_semaphore, #tpu.memory_space<semaphore_mem>>)
    %dma_start3A_123 = arith.constant 13 : i32
    %dma_start3A_124 = arith.constant 6656 : i32
    %dma_start3A_125 = tpu.memref_slice %arg10[%dma_start3A_124] : memref<10240xi32, #tpu.memory_space<vmem>> -> memref<512xi32, #tpu.memory_space<vmem>>
    %dma_start3A_126 = tpu.memref_slice %arg5[%dma_start3A_123, %mul3A_2] : memref<20x16384xi32, #tpu.memory_space<hbm>> -> memref<1x512xi32, #tpu.memory_space<hbm>>
    %dma_start3A_127 = tpu.memref_squeeze %dma_start3A_126 : memref<1x512xi32, #tpu.memory_space<hbm>> -> memref<512xi32, #tpu.memory_space<hbm>>
    %dma_start3A_128 = arith.constant 6656 : i32
    %dma_start3A_129 = tpu.memref_slice %arg10[%dma_start3A_128] : memref<10240xi32, #tpu.memory_space<vmem>> -> memref<512xi32, #tpu.memory_space<vmem>>
    %dma_start3A_130 = tpu.memref_slice %arg5[%dma_start3A_123, %mul3A_2] : memref<20x16384xi32, #tpu.memory_space<hbm>> -> memref<1x512xi32, #tpu.memory_space<hbm>>
    %dma_start3A_131 = tpu.memref_squeeze %dma_start3A_130 : memref<1x512xi32, #tpu.memory_space<hbm>> -> memref<512xi32, #tpu.memory_space<hbm>>
    tpu.enqueue_dma source(%dma_start3A_131 : memref<512xi32, #tpu.memory_space<hbm>>) target(%dma_start3A_129 : memref<512xi32, #tpu.memory_space<vmem>>) target_semaphore(%arg15 : memref<!tpu.dma_semaphore, #tpu.memory_space<semaphore_mem>>)
    %dma_start3A_132 = arith.constant 14 : i32
    %dma_start3A_133 = arith.constant 7168 : i32
    %dma_start3A_134 = tpu.memref_slice %arg10[%dma_start3A_133] : memref<10240xi32, #tpu.memory_space<vmem>> -> memref<512xi32, #tpu.memory_space<vmem>>
    %dma_start3A_135 = tpu.memref_slice %arg5[%dma_start3A_132, %mul3A_2] : memref<20x16384xi32, #tpu.memory_space<hbm>> -> memref<1x512xi32, #tpu.memory_space<hbm>>
    %dma_start3A_136 = tpu.memref_squeeze %dma_start3A_135 : memref<1x512xi32, #tpu.memory_space<hbm>> -> memref<512xi32, #tpu.memory_space<hbm>>
    %dma_start3A_137 = arith.constant 7168 : i32
    %dma_start3A_138 = tpu.memref_slice %arg10[%dma_start3A_137] : memref<10240xi32, #tpu.memory_space<vmem>> -> memref<512xi32, #tpu.memory_space<vmem>>
    %dma_start3A_139 = tpu.memref_slice %arg5[%dma_start3A_132, %mul3A_2] : memref<20x16384xi32, #tpu.memory_space<hbm>> -> memref<1x512xi32, #tpu.memory_space<hbm>>
    %dma_start3A_140 = tpu.memref_squeeze %dma_start3A_139 : memref<1x512xi32, #tpu.memory_space<hbm>> -> memref<512xi32, #tpu.memory_space<hbm>>
    tpu.enqueue_dma source(%dma_start3A_140 : memref<512xi32, #tpu.memory_space<hbm>>) target(%dma_start3A_138 : memref<512xi32, #tpu.memory_space<vmem>>) target_semaphore(%arg15 : memref<!tpu.dma_semaphore, #tpu.memory_space<semaphore_mem>>)
    %dma_start3A_141 = arith.constant 15 : i32
    %dma_start3A_142 = arith.constant 7680 : i32
    %dma_start3A_143 = tpu.memref_slice %arg10[%dma_start3A_142] : memref<10240xi32, #tpu.memory_space<vmem>> -> memref<512xi32, #tpu.memory_space<vmem>>
    %dma_start3A_144 = tpu.memref_slice %arg5[%dma_start3A_141, %mul3A_2] : memref<20x16384xi32, #tpu.memory_space<hbm>> -> memref<1x512xi32, #tpu.memory_space<hbm>>
    %dma_start3A_145 = tpu.memref_squeeze %dma_start3A_144 : memref<1x512xi32, #tpu.memory_space<hbm>> -> memref<512xi32, #tpu.memory_space<hbm>>
    %dma_start3A_146 = arith.constant 7680 : i32
    %dma_start3A_147 = tpu.memref_slice %arg10[%dma_start3A_146] : memref<10240xi32, #tpu.memory_space<vmem>> -> memref<512xi32, #tpu.memory_space<vmem>>
    %dma_start3A_148 = tpu.memref_slice %arg5[%dma_start3A_141, %mul3A_2] : memref<20x16384xi32, #tpu.memory_space<hbm>> -> memref<1x512xi32, #tpu.memory_space<hbm>>
    %dma_start3A_149 = tpu.memref_squeeze %dma_start3A_148 : memref<1x512xi32, #tpu.memory_space<hbm>> -> memref<512xi32, #tpu.memory_space<hbm>>
    tpu.enqueue_dma source(%dma_start3A_149 : memref<512xi32, #tpu.memory_space<hbm>>) target(%dma_start3A_147 : memref<512xi32, #tpu.memory_space<vmem>>) target_semaphore(%arg15 : memref<!tpu.dma_semaphore, #tpu.memory_space<semaphore_mem>>)
    %dma_start3A_150 = arith.constant 16 : i32
    %dma_start3A_151 = arith.constant 8192 : i32
    %dma_start3A_152 = tpu.memref_slice %arg10[%dma_start3A_151] : memref<10240xi32, #tpu.memory_space<vmem>> -> memref<512xi32, #tpu.memory_space<vmem>>
    %dma_start3A_153 = tpu.memref_slice %arg5[%dma_start3A_150, %mul3A_2] : memref<20x16384xi32, #tpu.memory_space<hbm>> -> memref<1x512xi32, #tpu.memory_space<hbm>>
    %dma_start3A_154 = tpu.memref_squeeze %dma_start3A_153 : memref<1x512xi32, #tpu.memory_space<hbm>> -> memref<512xi32, #tpu.memory_space<hbm>>
    %dma_start3A_155 = arith.constant 8192 : i32
    %dma_start3A_156 = tpu.memref_slice %arg10[%dma_start3A_155] : memref<10240xi32, #tpu.memory_space<vmem>> -> memref<512xi32, #tpu.memory_space<vmem>>
    %dma_start3A_157 = tpu.memref_slice %arg5[%dma_start3A_150, %mul3A_2] : memref<20x16384xi32, #tpu.memory_space<hbm>> -> memref<1x512xi32, #tpu.memory_space<hbm>>
    %dma_start3A_158 = tpu.memref_squeeze %dma_start3A_157 : memref<1x512xi32, #tpu.memory_space<hbm>> -> memref<512xi32, #tpu.memory_space<hbm>>
    tpu.enqueue_dma source(%dma_start3A_158 : memref<512xi32, #tpu.memory_space<hbm>>) target(%dma_start3A_156 : memref<512xi32, #tpu.memory_space<vmem>>) target_semaphore(%arg15 : memref<!tpu.dma_semaphore, #tpu.memory_space<semaphore_mem>>)
    %dma_start3A_159 = arith.constant 17 : i32
    %dma_start3A_160 = arith.constant 8704 : i32
    %dma_start3A_161 = tpu.memref_slice %arg10[%dma_start3A_160] : memref<10240xi32, #tpu.memory_space<vmem>> -> memref<512xi32, #tpu.memory_space<vmem>>
    %dma_start3A_162 = tpu.memref_slice %arg5[%dma_start3A_159, %mul3A_2] : memref<20x16384xi32, #tpu.memory_space<hbm>> -> memref<1x512xi32, #tpu.memory_space<hbm>>
    %dma_start3A_163 = tpu.memref_squeeze %dma_start3A_162 : memref<1x512xi32, #tpu.memory_space<hbm>> -> memref<512xi32, #tpu.memory_space<hbm>>
    %dma_start3A_164 = arith.constant 8704 : i32
    %dma_start3A_165 = tpu.memref_slice %arg10[%dma_start3A_164] : memref<10240xi32, #tpu.memory_space<vmem>> -> memref<512xi32, #tpu.memory_space<vmem>>
    %dma_start3A_166 = tpu.memref_slice %arg5[%dma_start3A_159, %mul3A_2] : memref<20x16384xi32, #tpu.memory_space<hbm>> -> memref<1x512xi32, #tpu.memory_space<hbm>>
    %dma_start3A_167 = tpu.memref_squeeze %dma_start3A_166 : memref<1x512xi32, #tpu.memory_space<hbm>> -> memref<512xi32, #tpu.memory_space<hbm>>
    tpu.enqueue_dma source(%dma_start3A_167 : memref<512xi32, #tpu.memory_space<hbm>>) target(%dma_start3A_165 : memref<512xi32, #tpu.memory_space<vmem>>) target_semaphore(%arg15 : memref<!tpu.dma_semaphore, #tpu.memory_space<semaphore_mem>>)
    %dma_start3A_168 = arith.constant 18 : i32
    %dma_start3A_169 = arith.constant 9216 : i32
    %dma_start3A_170 = tpu.memref_slice %arg10[%dma_start3A_169] : memref<10240xi32, #tpu.memory_space<vmem>> -> memref<512xi32, #tpu.memory_space<vmem>>
    %dma_start3A_171 = tpu.memref_slice %arg5[%dma_start3A_168, %mul3A_2] : memref<20x16384xi32, #tpu.memory_space<hbm>> -> memref<1x512xi32, #tpu.memory_space<hbm>>
    %dma_start3A_172 = tpu.memref_squeeze %dma_start3A_171 : memref<1x512xi32, #tpu.memory_space<hbm>> -> memref<512xi32, #tpu.memory_space<hbm>>
    %dma_start3A_173 = arith.constant 9216 : i32
    %dma_start3A_174 = tpu.memref_slice %arg10[%dma_start3A_173] : memref<10240xi32, #tpu.memory_space<vmem>> -> memref<512xi32, #tpu.memory_space<vmem>>
    %dma_start3A_175 = tpu.memref_slice %arg5[%dma_start3A_168, %mul3A_2] : memref<20x16384xi32, #tpu.memory_space<hbm>> -> memref<1x512xi32, #tpu.memory_space<hbm>>
    %dma_start3A_176 = tpu.memref_squeeze %dma_start3A_175 : memref<1x512xi32, #tpu.memory_space<hbm>> -> memref<512xi32, #tpu.memory_space<hbm>>
    tpu.enqueue_dma source(%dma_start3A_176 : memref<512xi32, #tpu.memory_space<hbm>>) target(%dma_start3A_174 : memref<512xi32, #tpu.memory_space<vmem>>) target_semaphore(%arg15 : memref<!tpu.dma_semaphore, #tpu.memory_space<semaphore_mem>>)
    %dma_start3A_177 = arith.constant 19 : i32
    %dma_start3A_178 = arith.constant 9728 : i32
    %dma_start3A_179 = tpu.memref_slice %arg10[%dma_start3A_178] : memref<10240xi32, #tpu.memory_space<vmem>> -> memref<512xi32, #tpu.memory_space<vmem>>
    %dma_start3A_180 = tpu.memref_slice %arg5[%dma_start3A_177, %mul3A_2] : memref<20x16384xi32, #tpu.memory_space<hbm>> -> memref<1x512xi32, #tpu.memory_space<hbm>>
    %dma_start3A_181 = tpu.memref_squeeze %dma_start3A_180 : memref<1x512xi32, #tpu.memory_space<hbm>> -> memref<512xi32, #tpu.memory_space<hbm>>
    %dma_start3A_182 = arith.constant 9728 : i32
    %dma_start3A_183 = tpu.memref_slice %arg10[%dma_start3A_182] : memref<10240xi32, #tpu.memory_space<vmem>> -> memref<512xi32, #tpu.memory_space<vmem>>
    %dma_start3A_184 = tpu.memref_slice %arg5[%dma_start3A_177, %mul3A_2] : memref<20x16384xi32, #tpu.memory_space<hbm>> -> memref<1x512xi32, #tpu.memory_space<hbm>>
    %dma_start3A_185 = tpu.memref_squeeze %dma_start3A_184 : memref<1x512xi32, #tpu.memory_space<hbm>> -> memref<512xi32, #tpu.memory_space<hbm>>
    tpu.enqueue_dma source(%dma_start3A_185 : memref<512xi32, #tpu.memory_space<hbm>>) target(%dma_start3A_183 : memref<512xi32, #tpu.memory_space<vmem>>) target_semaphore(%arg15 : memref<!tpu.dma_semaphore, #tpu.memory_space<semaphore_mem>>)
    tpu.wait_dma2 semaphore(%arg12 : memref<!tpu.dma_semaphore, #tpu.memory_space<semaphore_mem>>) src(%arg2 : memref<16384xf32, #tpu.memory_space<hbm>>) dst(%arg7 : memref<16384xf32, #tpu.memory_space<vmem>>)
    %dma_wait3A = tpu.memref_slice %arg3[%mul3A_2] : memref<16384xi32, #tpu.memory_space<hbm>> -> memref<512xi32, #tpu.memory_space<hbm>>
    %dma_wait3A_186 = tpu.memref_slice %arg3[%mul3A_2] : memref<16384xi32, #tpu.memory_space<hbm>> -> memref<512xi32, #tpu.memory_space<hbm>>
    tpu.wait_dma2 semaphore(%arg13 : memref<!tpu.dma_semaphore, #tpu.memory_space<semaphore_mem>>) src(%dma_wait3A_186 : memref<512xi32, #tpu.memory_space<hbm>>) dst(%arg8 : memref<512xi32, #tpu.memory_space<vmem>>)
    %dma_wait3A_187 = tpu.memref_slice %arg4[%mul3A_2] : memref<16384xi32, #tpu.memory_space<hbm>> -> memref<512xi32, #tpu.memory_space<hbm>>
    %dma_wait3A_188 = tpu.memref_slice %arg4[%mul3A_2] : memref<16384xi32, #tpu.memory_space<hbm>> -> memref<512xi32, #tpu.memory_space<hbm>>
    tpu.wait_dma2 semaphore(%arg14 : memref<!tpu.dma_semaphore, #tpu.memory_space<semaphore_mem>>) src(%dma_wait3A_188 : memref<512xi32, #tpu.memory_space<hbm>>) dst(%arg9 : memref<512xi32, #tpu.memory_space<vmem>>)
    %dma_wait3A_189 = arith.constant 0 : i32
    %dma_wait3A_190 = arith.constant 0 : i32
    %dma_wait3A_191 = tpu.memref_slice %arg10[%dma_wait3A_190] : memref<10240xi32, #tpu.memory_space<vmem>> -> memref<512xi32, #tpu.memory_space<vmem>>
    %dma_wait3A_192 = tpu.memref_slice %arg5[%dma_wait3A_189, %mul3A_2] : memref<20x16384xi32, #tpu.memory_space<hbm>> -> memref<1x512xi32, #tpu.memory_space<hbm>>
    %dma_wait3A_193 = tpu.memref_squeeze %dma_wait3A_192 : memref<1x512xi32, #tpu.memory_space<hbm>> -> memref<512xi32, #tpu.memory_space<hbm>>
    %dma_wait3A_194 = arith.constant 0 : i32
    %dma_wait3A_195 = tpu.memref_slice %arg10[%dma_wait3A_194] : memref<10240xi32, #tpu.memory_space<vmem>> -> memref<512xi32, #tpu.memory_space<vmem>>
    %dma_wait3A_196 = tpu.memref_slice %arg5[%dma_wait3A_189, %mul3A_2] : memref<20x16384xi32, #tpu.memory_space<hbm>> -> memref<1x512xi32, #tpu.memory_space<hbm>>
    %dma_wait3A_197 = tpu.memref_squeeze %dma_wait3A_196 : memref<1x512xi32, #tpu.memory_space<hbm>> -> memref<512xi32, #tpu.memory_space<hbm>>
    tpu.wait_dma2 semaphore(%arg15 : memref<!tpu.dma_semaphore, #tpu.memory_space<semaphore_mem>>) src(%dma_wait3A_197 : memref<512xi32, #tpu.memory_space<hbm>>) dst(%dma_wait3A_195 : memref<512xi32, #tpu.memory_space<vmem>>)
    %dma_wait3A_198 = arith.constant 1 : i32
    %dma_wait3A_199 = arith.constant 512 : i32
    %dma_wait3A_200 = tpu.memref_slice %arg10[%dma_wait3A_199] : memref<10240xi32, #tpu.memory_space<vmem>> -> memref<512xi32, #tpu.memory_space<vmem>>
    %dma_wait3A_201 = tpu.memref_slice %arg5[%dma_wait3A_198, %mul3A_2] : memref<20x16384xi32, #tpu.memory_space<hbm>> -> memref<1x512xi32, #tpu.memory_space<hbm>>
    %dma_wait3A_202 = tpu.memref_squeeze %dma_wait3A_201 : memref<1x512xi32, #tpu.memory_space<hbm>> -> memref<512xi32, #tpu.memory_space<hbm>>
    %dma_wait3A_203 = arith.constant 512 : i32
    %dma_wait3A_204 = tpu.memref_slice %arg10[%dma_wait3A_203] : memref<10240xi32, #tpu.memory_space<vmem>> -> memref<512xi32, #tpu.memory_space<vmem>>
    %dma_wait3A_205 = tpu.memref_slice %arg5[%dma_wait3A_198, %mul3A_2] : memref<20x16384xi32, #tpu.memory_space<hbm>> -> memref<1x512xi32, #tpu.memory_space<hbm>>
    %dma_wait3A_206 = tpu.memref_squeeze %dma_wait3A_205 : memref<1x512xi32, #tpu.memory_space<hbm>> -> memref<512xi32, #tpu.memory_space<hbm>>
    tpu.wait_dma2 semaphore(%arg15 : memref<!tpu.dma_semaphore, #tpu.memory_space<semaphore_mem>>) src(%dma_wait3A_206 : memref<512xi32, #tpu.memory_space<hbm>>) dst(%dma_wait3A_204 : memref<512xi32, #tpu.memory_space<vmem>>)
    %dma_wait3A_207 = arith.constant 2 : i32
    %dma_wait3A_208 = arith.constant 1024 : i32
    %dma_wait3A_209 = tpu.memref_slice %arg10[%dma_wait3A_208] : memref<10240xi32, #tpu.memory_space<vmem>> -> memref<512xi32, #tpu.memory_space<vmem>>
    %dma_wait3A_210 = tpu.memref_slice %arg5[%dma_wait3A_207, %mul3A_2] : memref<20x16384xi32, #tpu.memory_space<hbm>> -> memref<1x512xi32, #tpu.memory_space<hbm>>
    %dma_wait3A_211 = tpu.memref_squeeze %dma_wait3A_210 : memref<1x512xi32, #tpu.memory_space<hbm>> -> memref<512xi32, #tpu.memory_space<hbm>>
    %dma_wait3A_212 = arith.constant 1024 : i32
    %dma_wait3A_213 = tpu.memref_slice %arg10[%dma_wait3A_212] : memref<10240xi32, #tpu.memory_space<vmem>> -> memref<512xi32, #tpu.memory_space<vmem>>
    %dma_wait3A_214 = tpu.memref_slice %arg5[%dma_wait3A_207, %mul3A_2] : memref<20x16384xi32, #tpu.memory_space<hbm>> -> memref<1x512xi32, #tpu.memory_space<hbm>>
    %dma_wait3A_215 = tpu.memref_squeeze %dma_wait3A_214 : memref<1x512xi32, #tpu.memory_space<hbm>> -> memref<512xi32, #tpu.memory_space<hbm>>
    tpu.wait_dma2 semaphore(%arg15 : memref<!tpu.dma_semaphore, #tpu.memory_space<semaphore_mem>>) src(%dma_wait3A_215 : memref<512xi32, #tpu.memory_space<hbm>>) dst(%dma_wait3A_213 : memref<512xi32, #tpu.memory_space<vmem>>)
    %dma_wait3A_216 = arith.constant 3 : i32
    %dma_wait3A_217 = arith.constant 1536 : i32
    %dma_wait3A_218 = tpu.memref_slice %arg10[%dma_wait3A_217] : memref<10240xi32, #tpu.memory_space<vmem>> -> memref<512xi32, #tpu.memory_space<vmem>>
    %dma_wait3A_219 = tpu.memref_slice %arg5[%dma_wait3A_216, %mul3A_2] : memref<20x16384xi32, #tpu.memory_space<hbm>> -> memref<1x512xi32, #tpu.memory_space<hbm>>
    %dma_wait3A_220 = tpu.memref_squeeze %dma_wait3A_219 : memref<1x512xi32, #tpu.memory_space<hbm>> -> memref<512xi32, #tpu.memory_space<hbm>>
    %dma_wait3A_221 = arith.constant 1536 : i32
    %dma_wait3A_222 = tpu.memref_slice %arg10[%dma_wait3A_221] : memref<10240xi32, #tpu.memory_space<vmem>> -> memref<512xi32, #tpu.memory_space<vmem>>
    %dma_wait3A_223 = tpu.memref_slice %arg5[%dma_wait3A_216, %mul3A_2] : memref<20x16384xi32, #tpu.memory_space<hbm>> -> memref<1x512xi32, #tpu.memory_space<hbm>>
    %dma_wait3A_224 = tpu.memref_squeeze %dma_wait3A_223 : memref<1x512xi32, #tpu.memory_space<hbm>> -> memref<512xi32, #tpu.memory_space<hbm>>
    tpu.wait_dma2 semaphore(%arg15 : memref<!tpu.dma_semaphore, #tpu.memory_space<semaphore_mem>>) src(%dma_wait3A_224 : memref<512xi32, #tpu.memory_space<hbm>>) dst(%dma_wait3A_222 : memref<512xi32, #tpu.memory_space<vmem>>)
    %dma_wait3A_225 = arith.constant 4 : i32
    %dma_wait3A_226 = arith.constant 2048 : i32
    %dma_wait3A_227 = tpu.memref_slice %arg10[%dma_wait3A_226] : memref<10240xi32, #tpu.memory_space<vmem>> -> memref<512xi32, #tpu.memory_space<vmem>>
    %dma_wait3A_228 = tpu.memref_slice %arg5[%dma_wait3A_225, %mul3A_2] : memref<20x16384xi32, #tpu.memory_space<hbm>> -> memref<1x512xi32, #tpu.memory_space<hbm>>
    %dma_wait3A_229 = tpu.memref_squeeze %dma_wait3A_228 : memref<1x512xi32, #tpu.memory_space<hbm>> -> memref<512xi32, #tpu.memory_space<hbm>>
    %dma_wait3A_230 = arith.constant 2048 : i32
    %dma_wait3A_231 = tpu.memref_slice %arg10[%dma_wait3A_230] : memref<10240xi32, #tpu.memory_space<vmem>> -> memref<512xi32, #tpu.memory_space<vmem>>
    %dma_wait3A_232 = tpu.memref_slice %arg5[%dma_wait3A_225, %mul3A_2] : memref<20x16384xi32, #tpu.memory_space<hbm>> -> memref<1x512xi32, #tpu.memory_space<hbm>>
    %dma_wait3A_233 = tpu.memref_squeeze %dma_wait3A_232 : memref<1x512xi32, #tpu.memory_space<hbm>> -> memref<512xi32, #tpu.memory_space<hbm>>
    tpu.wait_dma2 semaphore(%arg15 : memref<!tpu.dma_semaphore, #tpu.memory_space<semaphore_mem>>) src(%dma_wait3A_233 : memref<512xi32, #tpu.memory_space<hbm>>) dst(%dma_wait3A_231 : memref<512xi32, #tpu.memory_space<vmem>>)
    %dma_wait3A_234 = arith.constant 5 : i32
    %dma_wait3A_235 = arith.constant 2560 : i32
    %dma_wait3A_236 = tpu.memref_slice %arg10[%dma_wait3A_235] : memref<10240xi32, #tpu.memory_space<vmem>> -> memref<512xi32, #tpu.memory_space<vmem>>
    %dma_wait3A_237 = tpu.memref_slice %arg5[%dma_wait3A_234, %mul3A_2] : memref<20x16384xi32, #tpu.memory_space<hbm>> -> memref<1x512xi32, #tpu.memory_space<hbm>>
    %dma_wait3A_238 = tpu.memref_squeeze %dma_wait3A_237 : memref<1x512xi32, #tpu.memory_space<hbm>> -> memref<512xi32, #tpu.memory_space<hbm>>
    %dma_wait3A_239 = arith.constant 2560 : i32
    %dma_wait3A_240 = tpu.memref_slice %arg10[%dma_wait3A_239] : memref<10240xi32, #tpu.memory_space<vmem>> -> memref<512xi32, #tpu.memory_space<vmem>>
    %dma_wait3A_241 = tpu.memref_slice %arg5[%dma_wait3A_234, %mul3A_2] : memref<20x16384xi32, #tpu.memory_space<hbm>> -> memref<1x512xi32, #tpu.memory_space<hbm>>
    %dma_wait3A_242 = tpu.memref_squeeze %dma_wait3A_241 : memref<1x512xi32, #tpu.memory_space<hbm>> -> memref<512xi32, #tpu.memory_space<hbm>>
    tpu.wait_dma2 semaphore(%arg15 : memref<!tpu.dma_semaphore, #tpu.memory_space<semaphore_mem>>) src(%dma_wait3A_242 : memref<512xi32, #tpu.memory_space<hbm>>) dst(%dma_wait3A_240 : memref<512xi32, #tpu.memory_space<vmem>>)
    %dma_wait3A_243 = arith.constant 6 : i32
    %dma_wait3A_244 = arith.constant 3072 : i32
    %dma_wait3A_245 = tpu.memref_slice %arg10[%dma_wait3A_244] : memref<10240xi32, #tpu.memory_space<vmem>> -> memref<512xi32, #tpu.memory_space<vmem>>
    %dma_wait3A_246 = tpu.memref_slice %arg5[%dma_wait3A_243, %mul3A_2] : memref<20x16384xi32, #tpu.memory_space<hbm>> -> memref<1x512xi32, #tpu.memory_space<hbm>>
    %dma_wait3A_247 = tpu.memref_squeeze %dma_wait3A_246 : memref<1x512xi32, #tpu.memory_space<hbm>> -> memref<512xi32, #tpu.memory_space<hbm>>
    %dma_wait3A_248 = arith.constant 3072 : i32
    %dma_wait3A_249 = tpu.memref_slice %arg10[%dma_wait3A_248] : memref<10240xi32, #tpu.memory_space<vmem>> -> memref<512xi32, #tpu.memory_space<vmem>>
    %dma_wait3A_250 = tpu.memref_slice %arg5[%dma_wait3A_243, %mul3A_2] : memref<20x16384xi32, #tpu.memory_space<hbm>> -> memref<1x512xi32, #tpu.memory_space<hbm>>
    %dma_wait3A_251 = tpu.memref_squeeze %dma_wait3A_250 : memref<1x512xi32, #tpu.memory_space<hbm>> -> memref<512xi32, #tpu.memory_space<hbm>>
    tpu.wait_dma2 semaphore(%arg15 : memref<!tpu.dma_semaphore, #tpu.memory_space<semaphore_mem>>) src(%dma_wait3A_251 : memref<512xi32, #tpu.memory_space<hbm>>) dst(%dma_wait3A_249 : memref<512xi32, #tpu.memory_space<vmem>>)
    %dma_wait3A_252 = arith.constant 7 : i32
    %dma_wait3A_253 = arith.constant 3584 : i32
    %dma_wait3A_254 = tpu.memref_slice %arg10[%dma_wait3A_253] : memref<10240xi32, #tpu.memory_space<vmem>> -> memref<512xi32, #tpu.memory_space<vmem>>
    %dma_wait3A_255 = tpu.memref_slice %arg5[%dma_wait3A_252, %mul3A_2] : memref<20x16384xi32, #tpu.memory_space<hbm>> -> memref<1x512xi32, #tpu.memory_space<hbm>>
    %dma_wait3A_256 = tpu.memref_squeeze %dma_wait3A_255 : memref<1x512xi32, #tpu.memory_space<hbm>> -> memref<512xi32, #tpu.memory_space<hbm>>
    %dma_wait3A_257 = arith.constant 3584 : i32
    %dma_wait3A_258 = tpu.memref_slice %arg10[%dma_wait3A_257] : memref<10240xi32, #tpu.memory_space<vmem>> -> memref<512xi32, #tpu.memory_space<vmem>>
    %dma_wait3A_259 = tpu.memref_slice %arg5[%dma_wait3A_252, %mul3A_2] : memref<20x16384xi32, #tpu.memory_space<hbm>> -> memref<1x512xi32, #tpu.memory_space<hbm>>
    %dma_wait3A_260 = tpu.memref_squeeze %dma_wait3A_259 : memref<1x512xi32, #tpu.memory_space<hbm>> -> memref<512xi32, #tpu.memory_space<hbm>>
    tpu.wait_dma2 semaphore(%arg15 : memref<!tpu.dma_semaphore, #tpu.memory_space<semaphore_mem>>) src(%dma_wait3A_260 : memref<512xi32, #tpu.memory_space<hbm>>) dst(%dma_wait3A_258 : memref<512xi32, #tpu.memory_space<vmem>>)
    %dma_wait3A_261 = arith.constant 8 : i32
    %dma_wait3A_262 = arith.constant 4096 : i32
    %dma_wait3A_263 = tpu.memref_slice %arg10[%dma_wait3A_262] : memref<10240xi32, #tpu.memory_space<vmem>> -> memref<512xi32, #tpu.memory_space<vmem>>
    %dma_wait3A_264 = tpu.memref_slice %arg5[%dma_wait3A_261, %mul3A_2] : memref<20x16384xi32, #tpu.memory_space<hbm>> -> memref<1x512xi32, #tpu.memory_space<hbm>>
    %dma_wait3A_265 = tpu.memref_squeeze %dma_wait3A_264 : memref<1x512xi32, #tpu.memory_space<hbm>> -> memref<512xi32, #tpu.memory_space<hbm>>
    %dma_wait3A_266 = arith.constant 4096 : i32
    %dma_wait3A_267 = tpu.memref_slice %arg10[%dma_wait3A_266] : memref<10240xi32, #tpu.memory_space<vmem>> -> memref<512xi32, #tpu.memory_space<vmem>>
    %dma_wait3A_268 = tpu.memref_slice %arg5[%dma_wait3A_261, %mul3A_2] : memref<20x16384xi32, #tpu.memory_space<hbm>> -> memref<1x512xi32, #tpu.memory_space<hbm>>
    %dma_wait3A_269 = tpu.memref_squeeze %dma_wait3A_268 : memref<1x512xi32, #tpu.memory_space<hbm>> -> memref<512xi32, #tpu.memory_space<hbm>>
    tpu.wait_dma2 semaphore(%arg15 : memref<!tpu.dma_semaphore, #tpu.memory_space<semaphore_mem>>) src(%dma_wait3A_269 : memref<512xi32, #tpu.memory_space<hbm>>) dst(%dma_wait3A_267 : memref<512xi32, #tpu.memory_space<vmem>>)
    %dma_wait3A_270 = arith.constant 9 : i32
    %dma_wait3A_271 = arith.constant 4608 : i32
    %dma_wait3A_272 = tpu.memref_slice %arg10[%dma_wait3A_271] : memref<10240xi32, #tpu.memory_space<vmem>> -> memref<512xi32, #tpu.memory_space<vmem>>
    %dma_wait3A_273 = tpu.memref_slice %arg5[%dma_wait3A_270, %mul3A_2] : memref<20x16384xi32, #tpu.memory_space<hbm>> -> memref<1x512xi32, #tpu.memory_space<hbm>>
    %dma_wait3A_274 = tpu.memref_squeeze %dma_wait3A_273 : memref<1x512xi32, #tpu.memory_space<hbm>> -> memref<512xi32, #tpu.memory_space<hbm>>
    %dma_wait3A_275 = arith.constant 4608 : i32
    %dma_wait3A_276 = tpu.memref_slice %arg10[%dma_wait3A_275] : memref<10240xi32, #tpu.memory_space<vmem>> -> memref<512xi32, #tpu.memory_space<vmem>>
    %dma_wait3A_277 = tpu.memref_slice %arg5[%dma_wait3A_270, %mul3A_2] : memref<20x16384xi32, #tpu.memory_space<hbm>> -> memref<1x512xi32, #tpu.memory_space<hbm>>
    %dma_wait3A_278 = tpu.memref_squeeze %dma_wait3A_277 : memref<1x512xi32, #tpu.memory_space<hbm>> -> memref<512xi32, #tpu.memory_space<hbm>>
    tpu.wait_dma2 semaphore(%arg15 : memref<!tpu.dma_semaphore, #tpu.memory_space<semaphore_mem>>) src(%dma_wait3A_278 : memref<512xi32, #tpu.memory_space<hbm>>) dst(%dma_wait3A_276 : memref<512xi32, #tpu.memory_space<vmem>>)
    %dma_wait3A_279 = arith.constant 10 : i32
    %dma_wait3A_280 = arith.constant 5120 : i32
    %dma_wait3A_281 = tpu.memref_slice %arg10[%dma_wait3A_280] : memref<10240xi32, #tpu.memory_space<vmem>> -> memref<512xi32, #tpu.memory_space<vmem>>
    %dma_wait3A_282 = tpu.memref_slice %arg5[%dma_wait3A_279, %mul3A_2] : memref<20x16384xi32, #tpu.memory_space<hbm>> -> memref<1x512xi32, #tpu.memory_space<hbm>>
    %dma_wait3A_283 = tpu.memref_squeeze %dma_wait3A_282 : memref<1x512xi32, #tpu.memory_space<hbm>> -> memref<512xi32, #tpu.memory_space<hbm>>
    %dma_wait3A_284 = arith.constant 5120 : i32
    %dma_wait3A_285 = tpu.memref_slice %arg10[%dma_wait3A_284] : memref<10240xi32, #tpu.memory_space<vmem>> -> memref<512xi32, #tpu.memory_space<vmem>>
    %dma_wait3A_286 = tpu.memref_slice %arg5[%dma_wait3A_279, %mul3A_2] : memref<20x16384xi32, #tpu.memory_space<hbm>> -> memref<1x512xi32, #tpu.memory_space<hbm>>
    %dma_wait3A_287 = tpu.memref_squeeze %dma_wait3A_286 : memref<1x512xi32, #tpu.memory_space<hbm>> -> memref<512xi32, #tpu.memory_space<hbm>>
    tpu.wait_dma2 semaphore(%arg15 : memref<!tpu.dma_semaphore, #tpu.memory_space<semaphore_mem>>) src(%dma_wait3A_287 : memref<512xi32, #tpu.memory_space<hbm>>) dst(%dma_wait3A_285 : memref<512xi32, #tpu.memory_space<vmem>>)
    %dma_wait3A_288 = arith.constant 11 : i32
    %dma_wait3A_289 = arith.constant 5632 : i32
    %dma_wait3A_290 = tpu.memref_slice %arg10[%dma_wait3A_289] : memref<10240xi32, #tpu.memory_space<vmem>> -> memref<512xi32, #tpu.memory_space<vmem>>
    %dma_wait3A_291 = tpu.memref_slice %arg5[%dma_wait3A_288, %mul3A_2] : memref<20x16384xi32, #tpu.memory_space<hbm>> -> memref<1x512xi32, #tpu.memory_space<hbm>>
    %dma_wait3A_292 = tpu.memref_squeeze %dma_wait3A_291 : memref<1x512xi32, #tpu.memory_space<hbm>> -> memref<512xi32, #tpu.memory_space<hbm>>
    %dma_wait3A_293 = arith.constant 5632 : i32
    %dma_wait3A_294 = tpu.memref_slice %arg10[%dma_wait3A_293] : memref<10240xi32, #tpu.memory_space<vmem>> -> memref<512xi32, #tpu.memory_space<vmem>>
    %dma_wait3A_295 = tpu.memref_slice %arg5[%dma_wait3A_288, %mul3A_2] : memref<20x16384xi32, #tpu.memory_space<hbm>> -> memref<1x512xi32, #tpu.memory_space<hbm>>
    %dma_wait3A_296 = tpu.memref_squeeze %dma_wait3A_295 : memref<1x512xi32, #tpu.memory_space<hbm>> -> memref<512xi32, #tpu.memory_space<hbm>>
    tpu.wait_dma2 semaphore(%arg15 : memref<!tpu.dma_semaphore, #tpu.memory_space<semaphore_mem>>) src(%dma_wait3A_296 : memref<512xi32, #tpu.memory_space<hbm>>) dst(%dma_wait3A_294 : memref<512xi32, #tpu.memory_space<vmem>>)
    %dma_wait3A_297 = arith.constant 12 : i32
    %dma_wait3A_298 = arith.constant 6144 : i32
    %dma_wait3A_299 = tpu.memref_slice %arg10[%dma_wait3A_298] : memref<10240xi32, #tpu.memory_space<vmem>> -> memref<512xi32, #tpu.memory_space<vmem>>
    %dma_wait3A_300 = tpu.memref_slice %arg5[%dma_wait3A_297, %mul3A_2] : memref<20x16384xi32, #tpu.memory_space<hbm>> -> memref<1x512xi32, #tpu.memory_space<hbm>>
    %dma_wait3A_301 = tpu.memref_squeeze %dma_wait3A_300 : memref<1x512xi32, #tpu.memory_space<hbm>> -> memref<512xi32, #tpu.memory_space<hbm>>
    %dma_wait3A_302 = arith.constant 6144 : i32
    %dma_wait3A_303 = tpu.memref_slice %arg10[%dma_wait3A_302] : memref<10240xi32, #tpu.memory_space<vmem>> -> memref<512xi32, #tpu.memory_space<vmem>>
    %dma_wait3A_304 = tpu.memref_slice %arg5[%dma_wait3A_297, %mul3A_2] : memref<20x16384xi32, #tpu.memory_space<hbm>> -> memref<1x512xi32, #tpu.memory_space<hbm>>
    %dma_wait3A_305 = tpu.memref_squeeze %dma_wait3A_304 : memref<1x512xi32, #tpu.memory_space<hbm>> -> memref<512xi32, #tpu.memory_space<hbm>>
    tpu.wait_dma2 semaphore(%arg15 : memref<!tpu.dma_semaphore, #tpu.memory_space<semaphore_mem>>) src(%dma_wait3A_305 : memref<512xi32, #tpu.memory_space<hbm>>) dst(%dma_wait3A_303 : memref<512xi32, #tpu.memory_space<vmem>>)
    %dma_wait3A_306 = arith.constant 13 : i32
    %dma_wait3A_307 = arith.constant 6656 : i32
    %dma_wait3A_308 = tpu.memref_slice %arg10[%dma_wait3A_307] : memref<10240xi32, #tpu.memory_space<vmem>> -> memref<512xi32, #tpu.memory_space<vmem>>
    %dma_wait3A_309 = tpu.memref_slice %arg5[%dma_wait3A_306, %mul3A_2] : memref<20x16384xi32, #tpu.memory_space<hbm>> -> memref<1x512xi32, #tpu.memory_space<hbm>>
    %dma_wait3A_310 = tpu.memref_squeeze %dma_wait3A_309 : memref<1x512xi32, #tpu.memory_space<hbm>> -> memref<512xi32, #tpu.memory_space<hbm>>
    %dma_wait3A_311 = arith.constant 6656 : i32
    %dma_wait3A_312 = tpu.memref_slice %arg10[%dma_wait3A_311] : memref<10240xi32, #tpu.memory_space<vmem>> -> memref<512xi32, #tpu.memory_space<vmem>>
    %dma_wait3A_313 = tpu.memref_slice %arg5[%dma_wait3A_306, %mul3A_2] : memref<20x16384xi32, #tpu.memory_space<hbm>> -> memref<1x512xi32, #tpu.memory_space<hbm>>
    %dma_wait3A_314 = tpu.memref_squeeze %dma_wait3A_313 : memref<1x512xi32, #tpu.memory_space<hbm>> -> memref<512xi32, #tpu.memory_space<hbm>>
    tpu.wait_dma2 semaphore(%arg15 : memref<!tpu.dma_semaphore, #tpu.memory_space<semaphore_mem>>) src(%dma_wait3A_314 : memref<512xi32, #tpu.memory_space<hbm>>) dst(%dma_wait3A_312 : memref<512xi32, #tpu.memory_space<vmem>>)
    %dma_wait3A_315 = arith.constant 14 : i32
    %dma_wait3A_316 = arith.constant 7168 : i32
    %dma_wait3A_317 = tpu.memref_slice %arg10[%dma_wait3A_316] : memref<10240xi32, #tpu.memory_space<vmem>> -> memref<512xi32, #tpu.memory_space<vmem>>
    %dma_wait3A_318 = tpu.memref_slice %arg5[%dma_wait3A_315, %mul3A_2] : memref<20x16384xi32, #tpu.memory_space<hbm>> -> memref<1x512xi32, #tpu.memory_space<hbm>>
    %dma_wait3A_319 = tpu.memref_squeeze %dma_wait3A_318 : memref<1x512xi32, #tpu.memory_space<hbm>> -> memref<512xi32, #tpu.memory_space<hbm>>
    %dma_wait3A_320 = arith.constant 7168 : i32
    %dma_wait3A_321 = tpu.memref_slice %arg10[%dma_wait3A_320] : memref<10240xi32, #tpu.memory_space<vmem>> -> memref<512xi32, #tpu.memory_space<vmem>>
    %dma_wait3A_322 = tpu.memref_slice %arg5[%dma_wait3A_315, %mul3A_2] : memref<20x16384xi32, #tpu.memory_space<hbm>> -> memref<1x512xi32, #tpu.memory_space<hbm>>
    %dma_wait3A_323 = tpu.memref_squeeze %dma_wait3A_322 : memref<1x512xi32, #tpu.memory_space<hbm>> -> memref<512xi32, #tpu.memory_space<hbm>>
    tpu.wait_dma2 semaphore(%arg15 : memref<!tpu.dma_semaphore, #tpu.memory_space<semaphore_mem>>) src(%dma_wait3A_323 : memref<512xi32, #tpu.memory_space<hbm>>) dst(%dma_wait3A_321 : memref<512xi32, #tpu.memory_space<vmem>>)
    %dma_wait3A_324 = arith.constant 15 : i32
    %dma_wait3A_325 = arith.constant 7680 : i32
    %dma_wait3A_326 = tpu.memref_slice %arg10[%dma_wait3A_325] : memref<10240xi32, #tpu.memory_space<vmem>> -> memref<512xi32, #tpu.memory_space<vmem>>
    %dma_wait3A_327 = tpu.memref_slice %arg5[%dma_wait3A_324, %mul3A_2] : memref<20x16384xi32, #tpu.memory_space<hbm>> -> memref<1x512xi32, #tpu.memory_space<hbm>>
    %dma_wait3A_328 = tpu.memref_squeeze %dma_wait3A_327 : memref<1x512xi32, #tpu.memory_space<hbm>> -> memref<512xi32, #tpu.memory_space<hbm>>
    %dma_wait3A_329 = arith.constant 7680 : i32
    %dma_wait3A_330 = tpu.memref_slice %arg10[%dma_wait3A_329] : memref<10240xi32, #tpu.memory_space<vmem>> -> memref<512xi32, #tpu.memory_space<vmem>>
    %dma_wait3A_331 = tpu.memref_slice %arg5[%dma_wait3A_324, %mul3A_2] : memref<20x16384xi32, #tpu.memory_space<hbm>> -> memref<1x512xi32, #tpu.memory_space<hbm>>
    %dma_wait3A_332 = tpu.memref_squeeze %dma_wait3A_331 : memref<1x512xi32, #tpu.memory_space<hbm>> -> memref<512xi32, #tpu.memory_space<hbm>>
    tpu.wait_dma2 semaphore(%arg15 : memref<!tpu.dma_semaphore, #tpu.memory_space<semaphore_mem>>) src(%dma_wait3A_332 : memref<512xi32, #tpu.memory_space<hbm>>) dst(%dma_wait3A_330 : memref<512xi32, #tpu.memory_space<vmem>>)
    %dma_wait3A_333 = arith.constant 16 : i32
    %dma_wait3A_334 = arith.constant 8192 : i32
    %dma_wait3A_335 = tpu.memref_slice %arg10[%dma_wait3A_334] : memref<10240xi32, #tpu.memory_space<vmem>> -> memref<512xi32, #tpu.memory_space<vmem>>
    %dma_wait3A_336 = tpu.memref_slice %arg5[%dma_wait3A_333, %mul3A_2] : memref<20x16384xi32, #tpu.memory_space<hbm>> -> memref<1x512xi32, #tpu.memory_space<hbm>>
    %dma_wait3A_337 = tpu.memref_squeeze %dma_wait3A_336 : memref<1x512xi32, #tpu.memory_space<hbm>> -> memref<512xi32, #tpu.memory_space<hbm>>
    %dma_wait3A_338 = arith.constant 8192 : i32
    %dma_wait3A_339 = tpu.memref_slice %arg10[%dma_wait3A_338] : memref<10240xi32, #tpu.memory_space<vmem>> -> memref<512xi32, #tpu.memory_space<vmem>>
    %dma_wait3A_340 = tpu.memref_slice %arg5[%dma_wait3A_333, %mul3A_2] : memref<20x16384xi32, #tpu.memory_space<hbm>> -> memref<1x512xi32, #tpu.memory_space<hbm>>
    %dma_wait3A_341 = tpu.memref_squeeze %dma_wait3A_340 : memref<1x512xi32, #tpu.memory_space<hbm>> -> memref<512xi32, #tpu.memory_space<hbm>>
    tpu.wait_dma2 semaphore(%arg15 : memref<!tpu.dma_semaphore, #tpu.memory_space<semaphore_mem>>) src(%dma_wait3A_341 : memref<512xi32, #tpu.memory_space<hbm>>) dst(%dma_wait3A_339 : memref<512xi32, #tpu.memory_space<vmem>>)
    %dma_wait3A_342 = arith.constant 17 : i32
    %dma_wait3A_343 = arith.constant 8704 : i32
    %dma_wait3A_344 = tpu.memref_slice %arg10[%dma_wait3A_343] : memref<10240xi32, #tpu.memory_space<vmem>> -> memref<512xi32, #tpu.memory_space<vmem>>
    %dma_wait3A_345 = tpu.memref_slice %arg5[%dma_wait3A_342, %mul3A_2] : memref<20x16384xi32, #tpu.memory_space<hbm>> -> memref<1x512xi32, #tpu.memory_space<hbm>>
    %dma_wait3A_346 = tpu.memref_squeeze %dma_wait3A_345 : memref<1x512xi32, #tpu.memory_space<hbm>> -> memref<512xi32, #tpu.memory_space<hbm>>
    %dma_wait3A_347 = arith.constant 8704 : i32
    %dma_wait3A_348 = tpu.memref_slice %arg10[%dma_wait3A_347] : memref<10240xi32, #tpu.memory_space<vmem>> -> memref<512xi32, #tpu.memory_space<vmem>>
    %dma_wait3A_349 = tpu.memref_slice %arg5[%dma_wait3A_342, %mul3A_2] : memref<20x16384xi32, #tpu.memory_space<hbm>> -> memref<1x512xi32, #tpu.memory_space<hbm>>
    %dma_wait3A_350 = tpu.memref_squeeze %dma_wait3A_349 : memref<1x512xi32, #tpu.memory_space<hbm>> -> memref<512xi32, #tpu.memory_space<hbm>>
    tpu.wait_dma2 semaphore(%arg15 : memref<!tpu.dma_semaphore, #tpu.memory_space<semaphore_mem>>) src(%dma_wait3A_350 : memref<512xi32, #tpu.memory_space<hbm>>) dst(%dma_wait3A_348 : memref<512xi32, #tpu.memory_space<vmem>>)
    %dma_wait3A_351 = arith.constant 18 : i32
    %dma_wait3A_352 = arith.constant 9216 : i32
    %dma_wait3A_353 = tpu.memref_slice %arg10[%dma_wait3A_352] : memref<10240xi32, #tpu.memory_space<vmem>> -> memref<512xi32, #tpu.memory_space<vmem>>
    %dma_wait3A_354 = tpu.memref_slice %arg5[%dma_wait3A_351, %mul3A_2] : memref<20x16384xi32, #tpu.memory_space<hbm>> -> memref<1x512xi32, #tpu.memory_space<hbm>>
    %dma_wait3A_355 = tpu.memref_squeeze %dma_wait3A_354 : memref<1x512xi32, #tpu.memory_space<hbm>> -> memref<512xi32, #tpu.memory_space<hbm>>
    %dma_wait3A_356 = arith.constant 9216 : i32
    %dma_wait3A_357 = tpu.memref_slice %arg10[%dma_wait3A_356] : memref<10240xi32, #tpu.memory_space<vmem>> -> memref<512xi32, #tpu.memory_space<vmem>>
    %dma_wait3A_358 = tpu.memref_slice %arg5[%dma_wait3A_351, %mul3A_2] : memref<20x16384xi32, #tpu.memory_space<hbm>> -> memref<1x512xi32, #tpu.memory_space<hbm>>
    %dma_wait3A_359 = tpu.memref_squeeze %dma_wait3A_358 : memref<1x512xi32, #tpu.memory_space<hbm>> -> memref<512xi32, #tpu.memory_space<hbm>>
    tpu.wait_dma2 semaphore(%arg15 : memref<!tpu.dma_semaphore, #tpu.memory_space<semaphore_mem>>) src(%dma_wait3A_359 : memref<512xi32, #tpu.memory_space<hbm>>) dst(%dma_wait3A_357 : memref<512xi32, #tpu.memory_space<vmem>>)
    %dma_wait3A_360 = arith.constant 19 : i32
    %dma_wait3A_361 = arith.constant 9728 : i32
    %dma_wait3A_362 = tpu.memref_slice %arg10[%dma_wait3A_361] : memref<10240xi32, #tpu.memory_space<vmem>> -> memref<512xi32, #tpu.memory_space<vmem>>
    %dma_wait3A_363 = tpu.memref_slice %arg5[%dma_wait3A_360, %mul3A_2] : memref<20x16384xi32, #tpu.memory_space<hbm>> -> memref<1x512xi32, #tpu.memory_space<hbm>>
    %dma_wait3A_364 = tpu.memref_squeeze %dma_wait3A_363 : memref<1x512xi32, #tpu.memory_space<hbm>> -> memref<512xi32, #tpu.memory_space<hbm>>
    %dma_wait3A_365 = arith.constant 9728 : i32
    %dma_wait3A_366 = tpu.memref_slice %arg10[%dma_wait3A_365] : memref<10240xi32, #tpu.memory_space<vmem>> -> memref<512xi32, #tpu.memory_space<vmem>>
    %dma_wait3A_367 = tpu.memref_slice %arg5[%dma_wait3A_360, %mul3A_2] : memref<20x16384xi32, #tpu.memory_space<hbm>> -> memref<1x512xi32, #tpu.memory_space<hbm>>
    %dma_wait3A_368 = tpu.memref_squeeze %dma_wait3A_367 : memref<1x512xi32, #tpu.memory_space<hbm>> -> memref<512xi32, #tpu.memory_space<hbm>>
    tpu.wait_dma2 semaphore(%arg15 : memref<!tpu.dma_semaphore, #tpu.memory_space<semaphore_mem>>) src(%dma_wait3A_368 : memref<512xi32, #tpu.memory_space<hbm>>) dst(%dma_wait3A_366 : memref<512xi32, #tpu.memory_space<vmem>>)
    %iota3A = tpu.iota {dimensions = array<i32: 0>} : vector<16xi32>
    %broadcast_in_dim3A = arith.constant 0.000000e+00 : f32
    %broadcast_in_dim3A_369 = vector.broadcast %broadcast_in_dim3A : f32 to vector<16xf32>
    %parallel_loop3A = arith.constant 0 : i32
    %parallel_loop3A_370 = arith.constant 32 : i32
    %parallel_loop3A_371 = arith.constant 1 : i32
    %parallel_loop3A_372 = scf.for %parallel_loop3A_379 = %parallel_loop3A to %parallel_loop3A_370 step %parallel_loop3A_371 iter_args(%parallel_loop3A_380 = %broadcast_in_dim3A_369) -> (vector<16xf32>)  : i32 {
      %parallel_loop3A_381 = arith.constant 16 : i32
      %parallel_loop3A_382 = arith.muli %parallel_loop3A_379, %parallel_loop3A_381 : i32
      %parallel_loop3A_383 = arith.index_cast %parallel_loop3A_382 : i32 to index
      %parallel_loop3A_384 = tpu.vector_load %arg8[%parallel_loop3A_383] {strides = array<i32>} : memref<512xi32, #tpu.memory_space<vmem>>, vector<16xi32>,
      %parallel_loop3A_385 = arith.constant 128 : i32
      %parallel_loop3A_386 = vector.broadcast %parallel_loop3A_385 : i32 to vector<16xi32>
      %parallel_loop3A_387 = arith.muli %parallel_loop3A_384, %parallel_loop3A_386 : vector<16xi32>
      %parallel_loop3A_388 = arith.index_cast %parallel_loop3A_382 : i32 to index
      %parallel_loop3A_389 = tpu.vector_load %arg9[%parallel_loop3A_388] {strides = array<i32>} : memref<512xi32, #tpu.memory_space<vmem>>, vector<16xi32>,
      %parallel_loop3A_390 = arith.addi %parallel_loop3A_387, %parallel_loop3A_389 : vector<16xi32>
      %parallel_loop3A_391 = tpu.vector_load_idx %arg7[%parallel_loop3A_390] : memref<16384xf32, #tpu.memory_space<vmem>>[vector<16xi32>], vector<16xf32>,
      %parallel_loop3A_392 = vector.broadcast %parallel_loop3A_382 : i32 to vector<16xi32>
      %parallel_loop3A_393 = arith.addi %parallel_loop3A_392, %iota3A : vector<16xi32>
      %parallel_loop3A_394 = arith.constant 0 : i32
      %parallel_loop3A_395 = vector.broadcast %parallel_loop3A_394 : i32 to vector<16xi32>
      %parallel_loop3A_396 = arith.addi %parallel_loop3A_395, %parallel_loop3A_393 : vector<16xi32>
      %parallel_loop3A_397 = tpu.vector_load_idx %arg10[%parallel_loop3A_396] : memref<10240xi32, #tpu.memory_space<vmem>>[vector<16xi32>], vector<16xi32>,
      %parallel_loop3A_398 = arith.addi %parallel_loop3A_387, %parallel_loop3A_397 : vector<16xi32>
      %parallel_loop3A_399 = tpu.vector_load_idx %arg7[%parallel_loop3A_398] : memref<16384xf32, #tpu.memory_space<vmem>>[vector<16xi32>], vector<16xf32>,
      %parallel_loop3A_400 = arith.constant 512 : i32
      %parallel_loop3A_401 = vector.broadcast %parallel_loop3A_400 : i32 to vector<16xi32>
      %parallel_loop3A_402 = arith.addi %parallel_loop3A_401, %parallel_loop3A_393 : vector<16xi32>
      %parallel_loop3A_403 = tpu.vector_load_idx %arg10[%parallel_loop3A_402] : memref<10240xi32, #tpu.memory_space<vmem>>[vector<16xi32>], vector<16xi32>,
      %parallel_loop3A_404 = arith.addi %parallel_loop3A_387, %parallel_loop3A_403 : vector<16xi32>
      %parallel_loop3A_405 = tpu.vector_load_idx %arg7[%parallel_loop3A_404] : memref<16384xf32, #tpu.memory_space<vmem>>[vector<16xi32>], vector<16xf32>,
      %parallel_loop3A_406 = arith.constant 1024 : i32
      %parallel_loop3A_407 = vector.broadcast %parallel_loop3A_406 : i32 to vector<16xi32>
      %parallel_loop3A_408 = arith.addi %parallel_loop3A_407, %parallel_loop3A_393 : vector<16xi32>
      %parallel_loop3A_409 = tpu.vector_load_idx %arg10[%parallel_loop3A_408] : memref<10240xi32, #tpu.memory_space<vmem>>[vector<16xi32>], vector<16xi32>,
      %parallel_loop3A_410 = arith.addi %parallel_loop3A_387, %parallel_loop3A_409 : vector<16xi32>
      %parallel_loop3A_411 = tpu.vector_load_idx %arg7[%parallel_loop3A_410] : memref<16384xf32, #tpu.memory_space<vmem>>[vector<16xi32>], vector<16xf32>,
      %parallel_loop3A_412 = arith.constant 1536 : i32
      %parallel_loop3A_413 = vector.broadcast %parallel_loop3A_412 : i32 to vector<16xi32>
      %parallel_loop3A_414 = arith.addi %parallel_loop3A_413, %parallel_loop3A_393 : vector<16xi32>
      %parallel_loop3A_415 = tpu.vector_load_idx %arg10[%parallel_loop3A_414] : memref<10240xi32, #tpu.memory_space<vmem>>[vector<16xi32>], vector<16xi32>,
      %parallel_loop3A_416 = arith.addi %parallel_loop3A_387, %parallel_loop3A_415 : vector<16xi32>
      %parallel_loop3A_417 = tpu.vector_load_idx %arg7[%parallel_loop3A_416] : memref<16384xf32, #tpu.memory_space<vmem>>[vector<16xi32>], vector<16xf32>,
      %parallel_loop3A_418 = arith.constant 2048 : i32
      %parallel_loop3A_419 = vector.broadcast %parallel_loop3A_418 : i32 to vector<16xi32>
      %parallel_loop3A_420 = arith.addi %parallel_loop3A_419, %parallel_loop3A_393 : vector<16xi32>
      %parallel_loop3A_421 = tpu.vector_load_idx %arg10[%parallel_loop3A_420] : memref<10240xi32, #tpu.memory_space<vmem>>[vector<16xi32>], vector<16xi32>,
      %parallel_loop3A_422 = arith.addi %parallel_loop3A_387, %parallel_loop3A_421 : vector<16xi32>
      %parallel_loop3A_423 = tpu.vector_load_idx %arg7[%parallel_loop3A_422] : memref<16384xf32, #tpu.memory_space<vmem>>[vector<16xi32>], vector<16xf32>,
      %parallel_loop3A_424 = arith.addf %parallel_loop3A_399, %parallel_loop3A_423 : vector<16xf32>
      %parallel_loop3A_425 = arith.constant 2560 : i32
      %parallel_loop3A_426 = vector.broadcast %parallel_loop3A_425 : i32 to vector<16xi32>
      %parallel_loop3A_427 = arith.addi %parallel_loop3A_426, %parallel_loop3A_393 : vector<16xi32>
      %parallel_loop3A_428 = tpu.vector_load_idx %arg10[%parallel_loop3A_427] : memref<10240xi32, #tpu.memory_space<vmem>>[vector<16xi32>], vector<16xi32>,
      %parallel_loop3A_429 = arith.addi %parallel_loop3A_387, %parallel_loop3A_428 : vector<16xi32>
      %parallel_loop3A_430 = tpu.vector_load_idx %arg7[%parallel_loop3A_429] : memref<16384xf32, #tpu.memory_space<vmem>>[vector<16xi32>], vector<16xf32>,
      %parallel_loop3A_431 = arith.addf %parallel_loop3A_405, %parallel_loop3A_430 : vector<16xf32>
      %parallel_loop3A_432 = arith.constant 3072 : i32
      %parallel_loop3A_433 = vector.broadcast %parallel_loop3A_432 : i32 to vector<16xi32>
      %parallel_loop3A_434 = arith.addi %parallel_loop3A_433, %parallel_loop3A_393 : vector<16xi32>
      %parallel_loop3A_435 = tpu.vector_load_idx %arg10[%parallel_loop3A_434] : memref<10240xi32, #tpu.memory_space<vmem>>[vector<16xi32>], vector<16xi32>,
      %parallel_loop3A_436 = arith.addi %parallel_loop3A_387, %parallel_loop3A_435 : vector<16xi32>
      %parallel_loop3A_437 = tpu.vector_load_idx %arg7[%parallel_loop3A_436] : memref<16384xf32, #tpu.memory_space<vmem>>[vector<16xi32>], vector<16xf32>,
      %parallel_loop3A_438 = arith.addf %parallel_loop3A_411, %parallel_loop3A_437 : vector<16xf32>
      %parallel_loop3A_439 = arith.constant 3584 : i32
      %parallel_loop3A_440 = vector.broadcast %parallel_loop3A_439 : i32 to vector<16xi32>
      %parallel_loop3A_441 = arith.addi %parallel_loop3A_440, %parallel_loop3A_393 : vector<16xi32>
      %parallel_loop3A_442 = tpu.vector_load_idx %arg10[%parallel_loop3A_441] : memref<10240xi32, #tpu.memory_space<vmem>>[vector<16xi32>], vector<16xi32>,
      %parallel_loop3A_443 = arith.addi %parallel_loop3A_387, %parallel_loop3A_442 : vector<16xi32>
      %parallel_loop3A_444 = tpu.vector_load_idx %arg7[%parallel_loop3A_443] : memref<16384xf32, #tpu.memory_space<vmem>>[vector<16xi32>], vector<16xf32>,
      %parallel_loop3A_445 = arith.addf %parallel_loop3A_417, %parallel_loop3A_444 : vector<16xf32>
      %parallel_loop3A_446 = arith.constant 4096 : i32
      %parallel_loop3A_447 = vector.broadcast %parallel_loop3A_446 : i32 to vector<16xi32>
      %parallel_loop3A_448 = arith.addi %parallel_loop3A_447, %parallel_loop3A_393 : vector<16xi32>
      %parallel_loop3A_449 = tpu.vector_load_idx %arg10[%parallel_loop3A_448] : memref<10240xi32, #tpu.memory_space<vmem>>[vector<16xi32>], vector<16xi32>,
      %parallel_loop3A_450 = arith.addi %parallel_loop3A_387, %parallel_loop3A_449 : vector<16xi32>
      %parallel_loop3A_451 = tpu.vector_load_idx %arg7[%parallel_loop3A_450] : memref<16384xf32, #tpu.memory_space<vmem>>[vector<16xi32>], vector<16xf32>,
      %parallel_loop3A_452 = arith.addf %parallel_loop3A_424, %parallel_loop3A_451 : vector<16xf32>
      %parallel_loop3A_453 = arith.constant 4608 : i32
      %parallel_loop3A_454 = vector.broadcast %parallel_loop3A_453 : i32 to vector<16xi32>
      %parallel_loop3A_455 = arith.addi %parallel_loop3A_454, %parallel_loop3A_393 : vector<16xi32>
      %parallel_loop3A_456 = tpu.vector_load_idx %arg10[%parallel_loop3A_455] : memref<10240xi32, #tpu.memory_space<vmem>>[vector<16xi32>], vector<16xi32>,
      %parallel_loop3A_457 = arith.addi %parallel_loop3A_387, %parallel_loop3A_456 : vector<16xi32>
      %parallel_loop3A_458 = tpu.vector_load_idx %arg7[%parallel_loop3A_457] : memref<16384xf32, #tpu.memory_space<vmem>>[vector<16xi32>], vector<16xf32>,
      %parallel_loop3A_459 = arith.addf %parallel_loop3A_431, %parallel_loop3A_458 : vector<16xf32>
      %parallel_loop3A_460 = arith.constant 5120 : i32
      %parallel_loop3A_461 = vector.broadcast %parallel_loop3A_460 : i32 to vector<16xi32>
      %parallel_loop3A_462 = arith.addi %parallel_loop3A_461, %parallel_loop3A_393 : vector<16xi32>
      %parallel_loop3A_463 = tpu.vector_load_idx %arg10[%parallel_loop3A_462] : memref<10240xi32, #tpu.memory_space<vmem>>[vector<16xi32>], vector<16xi32>,
      %parallel_loop3A_464 = arith.addi %parallel_loop3A_387, %parallel_loop3A_463 : vector<16xi32>
      %parallel_loop3A_465 = tpu.vector_load_idx %arg7[%parallel_loop3A_464] : memref<16384xf32, #tpu.memory_space<vmem>>[vector<16xi32>], vector<16xf32>,
      %parallel_loop3A_466 = arith.addf %parallel_loop3A_438, %parallel_loop3A_465 : vector<16xf32>
      %parallel_loop3A_467 = arith.constant 5632 : i32
      %parallel_loop3A_468 = vector.broadcast %parallel_loop3A_467 : i32 to vector<16xi32>
      %parallel_loop3A_469 = arith.addi %parallel_loop3A_468, %parallel_loop3A_393 : vector<16xi32>
      %parallel_loop3A_470 = tpu.vector_load_idx %arg10[%parallel_loop3A_469] : memref<10240xi32, #tpu.memory_space<vmem>>[vector<16xi32>], vector<16xi32>,
      %parallel_loop3A_471 = arith.addi %parallel_loop3A_387, %parallel_loop3A_470 : vector<16xi32>
      %parallel_loop3A_472 = tpu.vector_load_idx %arg7[%parallel_loop3A_471] : memref<16384xf32, #tpu.memory_space<vmem>>[vector<16xi32>], vector<16xf32>,
      %parallel_loop3A_473 = arith.addf %parallel_loop3A_445, %parallel_loop3A_472 : vector<16xf32>
      %parallel_loop3A_474 = arith.constant 6144 : i32
      %parallel_loop3A_475 = vector.broadcast %parallel_loop3A_474 : i32 to vector<16xi32>
      %parallel_loop3A_476 = arith.addi %parallel_loop3A_475, %parallel_loop3A_393 : vector<16xi32>
      %parallel_loop3A_477 = tpu.vector_load_idx %arg10[%parallel_loop3A_476] : memref<10240xi32, #tpu.memory_space<vmem>>[vector<16xi32>], vector<16xi32>,
      %parallel_loop3A_478 = arith.addi %parallel_loop3A_387, %parallel_loop3A_477 : vector<16xi32>
      %parallel_loop3A_479 = tpu.vector_load_idx %arg7[%parallel_loop3A_478] : memref<16384xf32, #tpu.memory_space<vmem>>[vector<16xi32>], vector<16xf32>,
      %parallel_loop3A_480 = arith.addf %parallel_loop3A_452, %parallel_loop3A_479 : vector<16xf32>
      %parallel_loop3A_481 = arith.constant 6656 : i32
      %parallel_loop3A_482 = vector.broadcast %parallel_loop3A_481 : i32 to vector<16xi32>
      %parallel_loop3A_483 = arith.addi %parallel_loop3A_482, %parallel_loop3A_393 : vector<16xi32>
      %parallel_loop3A_484 = tpu.vector_load_idx %arg10[%parallel_loop3A_483] : memref<10240xi32, #tpu.memory_space<vmem>>[vector<16xi32>], vector<16xi32>,
      %parallel_loop3A_485 = arith.addi %parallel_loop3A_387, %parallel_loop3A_484 : vector<16xi32>
      %parallel_loop3A_486 = tpu.vector_load_idx %arg7[%parallel_loop3A_485] : memref<16384xf32, #tpu.memory_space<vmem>>[vector<16xi32>], vector<16xf32>,
      %parallel_loop3A_487 = arith.addf %parallel_loop3A_459, %parallel_loop3A_486 : vector<16xf32>
      %parallel_loop3A_488 = arith.constant 7168 : i32
      %parallel_loop3A_489 = vector.broadcast %parallel_loop3A_488 : i32 to vector<16xi32>
      %parallel_loop3A_490 = arith.addi %parallel_loop3A_489, %parallel_loop3A_393 : vector<16xi32>
      %parallel_loop3A_491 = tpu.vector_load_idx %arg10[%parallel_loop3A_490] : memref<10240xi32, #tpu.memory_space<vmem>>[vector<16xi32>], vector<16xi32>,
      %parallel_loop3A_492 = arith.addi %parallel_loop3A_387, %parallel_loop3A_491 : vector<16xi32>
      %parallel_loop3A_493 = tpu.vector_load_idx %arg7[%parallel_loop3A_492] : memref<16384xf32, #tpu.memory_space<vmem>>[vector<16xi32>], vector<16xf32>,
      %parallel_loop3A_494 = arith.addf %parallel_loop3A_466, %parallel_loop3A_493 : vector<16xf32>
      %parallel_loop3A_495 = arith.constant 7680 : i32
      %parallel_loop3A_496 = vector.broadcast %parallel_loop3A_495 : i32 to vector<16xi32>
      %parallel_loop3A_497 = arith.addi %parallel_loop3A_496, %parallel_loop3A_393 : vector<16xi32>
      %parallel_loop3A_498 = tpu.vector_load_idx %arg10[%parallel_loop3A_497] : memref<10240xi32, #tpu.memory_space<vmem>>[vector<16xi32>], vector<16xi32>,
      %parallel_loop3A_499 = arith.addi %parallel_loop3A_387, %parallel_loop3A_498 : vector<16xi32>
      %parallel_loop3A_500 = tpu.vector_load_idx %arg7[%parallel_loop3A_499] : memref<16384xf32, #tpu.memory_space<vmem>>[vector<16xi32>], vector<16xf32>,
      %parallel_loop3A_501 = arith.addf %parallel_loop3A_473, %parallel_loop3A_500 : vector<16xf32>
      %parallel_loop3A_502 = arith.constant 8192 : i32
      %parallel_loop3A_503 = vector.broadcast %parallel_loop3A_502 : i32 to vector<16xi32>
      %parallel_loop3A_504 = arith.addi %parallel_loop3A_503, %parallel_loop3A_393 : vector<16xi32>
      %parallel_loop3A_505 = tpu.vector_load_idx %arg10[%parallel_loop3A_504] : memref<10240xi32, #tpu.memory_space<vmem>>[vector<16xi32>], vector<16xi32>,
      %parallel_loop3A_506 = arith.addi %parallel_loop3A_387, %parallel_loop3A_505 : vector<16xi32>
      %parallel_loop3A_507 = tpu.vector_load_idx %arg7[%parallel_loop3A_506] : memref<16384xf32, #tpu.memory_space<vmem>>[vector<16xi32>], vector<16xf32>,
      %parallel_loop3A_508 = arith.addf %parallel_loop3A_480, %parallel_loop3A_507 : vector<16xf32>
      %parallel_loop3A_509 = arith.constant 8704 : i32
      %parallel_loop3A_510 = vector.broadcast %parallel_loop3A_509 : i32 to vector<16xi32>
      %parallel_loop3A_511 = arith.addi %parallel_loop3A_510, %parallel_loop3A_393 : vector<16xi32>
      %parallel_loop3A_512 = tpu.vector_load_idx %arg10[%parallel_loop3A_511] : memref<10240xi32, #tpu.memory_space<vmem>>[vector<16xi32>], vector<16xi32>,
      %parallel_loop3A_513 = arith.addi %parallel_loop3A_387, %parallel_loop3A_512 : vector<16xi32>
      %parallel_loop3A_514 = tpu.vector_load_idx %arg7[%parallel_loop3A_513] : memref<16384xf32, #tpu.memory_space<vmem>>[vector<16xi32>], vector<16xf32>,
      %parallel_loop3A_515 = arith.addf %parallel_loop3A_487, %parallel_loop3A_514 : vector<16xf32>
      %parallel_loop3A_516 = arith.constant 9216 : i32
      %parallel_loop3A_517 = vector.broadcast %parallel_loop3A_516 : i32 to vector<16xi32>
      %parallel_loop3A_518 = arith.addi %parallel_loop3A_517, %parallel_loop3A_393 : vector<16xi32>
      %parallel_loop3A_519 = tpu.vector_load_idx %arg10[%parallel_loop3A_518] : memref<10240xi32, #tpu.memory_space<vmem>>[vector<16xi32>], vector<16xi32>,
      %parallel_loop3A_520 = arith.addi %parallel_loop3A_387, %parallel_loop3A_519 : vector<16xi32>
      %parallel_loop3A_521 = tpu.vector_load_idx %arg7[%parallel_loop3A_520] : memref<16384xf32, #tpu.memory_space<vmem>>[vector<16xi32>], vector<16xf32>,
      %parallel_loop3A_522 = arith.addf %parallel_loop3A_494, %parallel_loop3A_521 : vector<16xf32>
      %parallel_loop3A_523 = arith.constant 9728 : i32
      %parallel_loop3A_524 = vector.broadcast %parallel_loop3A_523 : i32 to vector<16xi32>
      %parallel_loop3A_525 = arith.addi %parallel_loop3A_524, %parallel_loop3A_393 : vector<16xi32>
      %parallel_loop3A_526 = tpu.vector_load_idx %arg10[%parallel_loop3A_525] : memref<10240xi32, #tpu.memory_space<vmem>>[vector<16xi32>], vector<16xi32>,
      %parallel_loop3A_527 = arith.addi %parallel_loop3A_387, %parallel_loop3A_526 : vector<16xi32>
      %parallel_loop3A_528 = tpu.vector_load_idx %arg7[%parallel_loop3A_527] : memref<16384xf32, #tpu.memory_space<vmem>>[vector<16xi32>], vector<16xf32>,
      %parallel_loop3A_529 = arith.addf %parallel_loop3A_501, %parallel_loop3A_528 : vector<16xf32>
      %parallel_loop3A_530 = arith.addf %parallel_loop3A_508, %parallel_loop3A_515 : vector<16xf32>
      %parallel_loop3A_531 = arith.addf %parallel_loop3A_522, %parallel_loop3A_529 : vector<16xf32>
      %parallel_loop3A_532 = arith.addf %parallel_loop3A_530, %parallel_loop3A_531 : vector<16xf32>
      %parallel_loop3A_533 = arith.constant 0.000000e+00 : f32
      %parallel_loop3A_534 = vector.broadcast %parallel_loop3A_533 : f32 to vector<16xf32>
      %parallel_loop3A_535 = arith.subf %parallel_loop3A_534, %parallel_loop3A_391 : vector<16xf32>
      %parallel_loop3A_536 = math.exp %parallel_loop3A_535 : vector<16xf32>
      %parallel_loop3A_537 = arith.constant 1.000000e+00 : f32
      %parallel_loop3A_538 = vector.broadcast %parallel_loop3A_537 : f32 to vector<16xf32>
      %parallel_loop3A_539 = arith.addf %parallel_loop3A_538, %parallel_loop3A_536 : vector<16xf32>
      %parallel_loop3A_540 = vector.bitcast %parallel_loop3A_539 : vector<16xf32> to vector<16xi32>
      %parallel_loop3A_541 = arith.constant 23 : i32
      %parallel_loop3A_542 = vector.broadcast %parallel_loop3A_541 : i32 to vector<16xi32>
      %parallel_loop3A_543 = arith.shrsi %parallel_loop3A_540, %parallel_loop3A_542 : vector<16xi32>
      %parallel_loop3A_544 = arith.constant 127 : i32
      %parallel_loop3A_545 = vector.broadcast %parallel_loop3A_544 : i32 to vector<16xi32>
      %parallel_loop3A_546 = arith.subi %parallel_loop3A_543, %parallel_loop3A_545 : vector<16xi32>
      %parallel_loop3A_547 = arith.constant 8388607 : i32
      %parallel_loop3A_548 = vector.broadcast %parallel_loop3A_547 : i32 to vector<16xi32>
      %parallel_loop3A_549 = arith.andi %parallel_loop3A_540, %parallel_loop3A_548 : vector<16xi32>
      %parallel_loop3A_550 = arith.constant 1065353216 : i32
      %parallel_loop3A_551 = vector.broadcast %parallel_loop3A_550 : i32 to vector<16xi32>
      %parallel_loop3A_552 = arith.ori %parallel_loop3A_549, %parallel_loop3A_551 : vector<16xi32>
      %parallel_loop3A_553 = vector.bitcast %parallel_loop3A_552 : vector<16xi32> to vector<16xf32>
      %parallel_loop3A_554 = arith.constant 1.41421354 : f32
      %parallel_loop3A_555 = vector.broadcast %parallel_loop3A_554 : f32 to vector<16xf32>
      %parallel_loop3A_556 = arith.cmpf ogt, %parallel_loop3A_553, %parallel_loop3A_555 : vector<16xf32>
      %parallel_loop3A_557 = arith.constant 5.000000e-01 : f32
      %parallel_loop3A_558 = vector.broadcast %parallel_loop3A_557 : f32 to vector<16xf32>
      %parallel_loop3A_559 = arith.mulf %parallel_loop3A_553, %parallel_loop3A_558 : vector<16xf32>
      %parallel_loop3A_560 = arith.select %parallel_loop3A_556, %parallel_loop3A_559, %parallel_loop3A_553 : vector<16xi1>, vector<16xf32>
      %parallel_loop3A_561 = arith.constant 1 : i32
      %parallel_loop3A_562 = vector.broadcast %parallel_loop3A_561 : i32 to vector<16xi32>
      %parallel_loop3A_563 = arith.addi %parallel_loop3A_546, %parallel_loop3A_562 : vector<16xi32>
      %parallel_loop3A_564 = arith.select %parallel_loop3A_556, %parallel_loop3A_563, %parallel_loop3A_546 : vector<16xi1>, vector<16xi32>
      %parallel_loop3A_565 = arith.constant 1.000000e+00 : f32
      %parallel_loop3A_566 = vector.broadcast %parallel_loop3A_565 : f32 to vector<16xf32>
      %parallel_loop3A_567 = arith.subf %parallel_loop3A_560, %parallel_loop3A_566 : vector<16xf32>
      %parallel_loop3A_568 = arith.constant 1.000000e+00 : f32
      %parallel_loop3A_569 = vector.broadcast %parallel_loop3A_568 : f32 to vector<16xf32>
      %parallel_loop3A_570 = arith.addf %parallel_loop3A_560, %parallel_loop3A_569 : vector<16xf32>
      %parallel_loop3A_571 = arith.divf %parallel_loop3A_567, %parallel_loop3A_570 : vector<16xf32>
      %parallel_loop3A_572 = arith.mulf %parallel_loop3A_571, %parallel_loop3A_571 : vector<16xf32>
      %parallel_loop3A_573 = arith.constant 0.111111112 : f32
      %parallel_loop3A_574 = vector.broadcast %parallel_loop3A_573 : f32 to vector<16xf32>
      %parallel_loop3A_575 = arith.mulf %parallel_loop3A_572, %parallel_loop3A_574 : vector<16xf32>
      %parallel_loop3A_576 = arith.constant 0.142857149 : f32
      %parallel_loop3A_577 = vector.broadcast %parallel_loop3A_576 : f32 to vector<16xf32>
      %parallel_loop3A_578 = arith.addf %parallel_loop3A_577, %parallel_loop3A_575 : vector<16xf32>
      %parallel_loop3A_579 = arith.mulf %parallel_loop3A_572, %parallel_loop3A_578 : vector<16xf32>
      %parallel_loop3A_580 = arith.constant 2.000000e-01 : f32
      %parallel_loop3A_581 = vector.broadcast %parallel_loop3A_580 : f32 to vector<16xf32>
      %parallel_loop3A_582 = arith.addf %parallel_loop3A_581, %parallel_loop3A_579 : vector<16xf32>
      %parallel_loop3A_583 = arith.mulf %parallel_loop3A_572, %parallel_loop3A_582 : vector<16xf32>
      %parallel_loop3A_584 = arith.constant 0.333333343 : f32
      %parallel_loop3A_585 = vector.broadcast %parallel_loop3A_584 : f32 to vector<16xf32>
      %parallel_loop3A_586 = arith.addf %parallel_loop3A_585, %parallel_loop3A_583 : vector<16xf32>
      %parallel_loop3A_587 = arith.mulf %parallel_loop3A_572, %parallel_loop3A_586 : vector<16xf32>
      %parallel_loop3A_588 = arith.constant 1.000000e+00 : f32
      %parallel_loop3A_589 = vector.broadcast %parallel_loop3A_588 : f32 to vector<16xf32>
      %parallel_loop3A_590 = arith.addf %parallel_loop3A_589, %parallel_loop3A_587 : vector<16xf32>
      %parallel_loop3A_591 = arith.sitofp %parallel_loop3A_564 : vector<16xi32> to vector<16xf32>
      %parallel_loop3A_592 = arith.constant 0.693147182 : f32
      %parallel_loop3A_593 = vector.broadcast %parallel_loop3A_592 : f32 to vector<16xf32>
      %parallel_loop3A_594 = arith.mulf %parallel_loop3A_591, %parallel_loop3A_593 : vector<16xf32>
      %parallel_loop3A_595 = arith.constant 2.000000e+00 : f32
      %parallel_loop3A_596 = vector.broadcast %parallel_loop3A_595 : f32 to vector<16xf32>
      %parallel_loop3A_597 = arith.mulf %parallel_loop3A_596, %parallel_loop3A_571 : vector<16xf32>
      %parallel_loop3A_598 = arith.mulf %parallel_loop3A_597, %parallel_loop3A_590 : vector<16xf32>
      %parallel_loop3A_599 = arith.addf %parallel_loop3A_594, %parallel_loop3A_598 : vector<16xf32>
      %parallel_loop3A_600 = math.exp %parallel_loop3A_532 : vector<16xf32>
      %parallel_loop3A_601 = arith.constant 1.000000e+00 : f32
      %parallel_loop3A_602 = vector.broadcast %parallel_loop3A_601 : f32 to vector<16xf32>
      %parallel_loop3A_603 = arith.addf %parallel_loop3A_602, %parallel_loop3A_600 : vector<16xf32>
      %parallel_loop3A_604 = vector.bitcast %parallel_loop3A_603 : vector<16xf32> to vector<16xi32>
      %parallel_loop3A_605 = arith.constant 23 : i32
      %parallel_loop3A_606 = vector.broadcast %parallel_loop3A_605 : i32 to vector<16xi32>
      %parallel_loop3A_607 = arith.shrsi %parallel_loop3A_604, %parallel_loop3A_606 : vector<16xi32>
      %parallel_loop3A_608 = arith.constant 127 : i32
      %parallel_loop3A_609 = vector.broadcast %parallel_loop3A_608 : i32 to vector<16xi32>
      %parallel_loop3A_610 = arith.subi %parallel_loop3A_607, %parallel_loop3A_609 : vector<16xi32>
      %parallel_loop3A_611 = arith.constant 8388607 : i32
      %parallel_loop3A_612 = vector.broadcast %parallel_loop3A_611 : i32 to vector<16xi32>
      %parallel_loop3A_613 = arith.andi %parallel_loop3A_604, %parallel_loop3A_612 : vector<16xi32>
      %parallel_loop3A_614 = arith.constant 1065353216 : i32
      %parallel_loop3A_615 = vector.broadcast %parallel_loop3A_614 : i32 to vector<16xi32>
      %parallel_loop3A_616 = arith.ori %parallel_loop3A_613, %parallel_loop3A_615 : vector<16xi32>
      %parallel_loop3A_617 = vector.bitcast %parallel_loop3A_616 : vector<16xi32> to vector<16xf32>
      %parallel_loop3A_618 = arith.constant 1.41421354 : f32
      %parallel_loop3A_619 = vector.broadcast %parallel_loop3A_618 : f32 to vector<16xf32>
      %parallel_loop3A_620 = arith.cmpf ogt, %parallel_loop3A_617, %parallel_loop3A_619 : vector<16xf32>
      %parallel_loop3A_621 = arith.constant 5.000000e-01 : f32
      %parallel_loop3A_622 = vector.broadcast %parallel_loop3A_621 : f32 to vector<16xf32>
      %parallel_loop3A_623 = arith.mulf %parallel_loop3A_617, %parallel_loop3A_622 : vector<16xf32>
      %parallel_loop3A_624 = arith.select %parallel_loop3A_620, %parallel_loop3A_623, %parallel_loop3A_617 : vector<16xi1>, vector<16xf32>
      %parallel_loop3A_625 = arith.constant 1 : i32
      %parallel_loop3A_626 = vector.broadcast %parallel_loop3A_625 : i32 to vector<16xi32>
      %parallel_loop3A_627 = arith.addi %parallel_loop3A_610, %parallel_loop3A_626 : vector<16xi32>
      %parallel_loop3A_628 = arith.select %parallel_loop3A_620, %parallel_loop3A_627, %parallel_loop3A_610 : vector<16xi1>, vector<16xi32>
      %parallel_loop3A_629 = arith.constant 1.000000e+00 : f32
      %parallel_loop3A_630 = vector.broadcast %parallel_loop3A_629 : f32 to vector<16xf32>
      %parallel_loop3A_631 = arith.subf %parallel_loop3A_624, %parallel_loop3A_630 : vector<16xf32>
      %parallel_loop3A_632 = arith.constant 1.000000e+00 : f32
      %parallel_loop3A_633 = vector.broadcast %parallel_loop3A_632 : f32 to vector<16xf32>
      %parallel_loop3A_634 = arith.addf %parallel_loop3A_624, %parallel_loop3A_633 : vector<16xf32>
      %parallel_loop3A_635 = arith.divf %parallel_loop3A_631, %parallel_loop3A_634 : vector<16xf32>
      %parallel_loop3A_636 = arith.mulf %parallel_loop3A_635, %parallel_loop3A_635 : vector<16xf32>
      %parallel_loop3A_637 = arith.constant 0.111111112 : f32
      %parallel_loop3A_638 = vector.broadcast %parallel_loop3A_637 : f32 to vector<16xf32>
      %parallel_loop3A_639 = arith.mulf %parallel_loop3A_636, %parallel_loop3A_638 : vector<16xf32>
      %parallel_loop3A_640 = arith.constant 0.142857149 : f32
      %parallel_loop3A_641 = vector.broadcast %parallel_loop3A_640 : f32 to vector<16xf32>
      %parallel_loop3A_642 = arith.addf %parallel_loop3A_641, %parallel_loop3A_639 : vector<16xf32>
      %parallel_loop3A_643 = arith.mulf %parallel_loop3A_636, %parallel_loop3A_642 : vector<16xf32>
      %parallel_loop3A_644 = arith.constant 2.000000e-01 : f32
      %parallel_loop3A_645 = vector.broadcast %parallel_loop3A_644 : f32 to vector<16xf32>
      %parallel_loop3A_646 = arith.addf %parallel_loop3A_645, %parallel_loop3A_643 : vector<16xf32>
      %parallel_loop3A_647 = arith.mulf %parallel_loop3A_636, %parallel_loop3A_646 : vector<16xf32>
      %parallel_loop3A_648 = arith.constant 0.333333343 : f32
      %parallel_loop3A_649 = vector.broadcast %parallel_loop3A_648 : f32 to vector<16xf32>
      %parallel_loop3A_650 = arith.addf %parallel_loop3A_649, %parallel_loop3A_647 : vector<16xf32>
      %parallel_loop3A_651 = arith.mulf %parallel_loop3A_636, %parallel_loop3A_650 : vector<16xf32>
      %parallel_loop3A_652 = arith.constant 1.000000e+00 : f32
      %parallel_loop3A_653 = vector.broadcast %parallel_loop3A_652 : f32 to vector<16xf32>
      %parallel_loop3A_654 = arith.addf %parallel_loop3A_653, %parallel_loop3A_651 : vector<16xf32>
      %parallel_loop3A_655 = arith.sitofp %parallel_loop3A_628 : vector<16xi32> to vector<16xf32>
      %parallel_loop3A_656 = arith.constant 0.693147182 : f32
      %parallel_loop3A_657 = vector.broadcast %parallel_loop3A_656 : f32 to vector<16xf32>
      %parallel_loop3A_658 = arith.mulf %parallel_loop3A_655, %parallel_loop3A_657 : vector<16xf32>
      %parallel_loop3A_659 = arith.constant 2.000000e+00 : f32
      %parallel_loop3A_660 = vector.broadcast %parallel_loop3A_659 : f32 to vector<16xf32>
      %parallel_loop3A_661 = arith.mulf %parallel_loop3A_660, %parallel_loop3A_635 : vector<16xf32>
      %parallel_loop3A_662 = arith.mulf %parallel_loop3A_661, %parallel_loop3A_654 : vector<16xf32>
      %parallel_loop3A_663 = arith.addf %parallel_loop3A_658, %parallel_loop3A_662 : vector<16xf32>
      %parallel_loop3A_664 = arith.addf %parallel_loop3A_599, %parallel_loop3A_663 : vector<16xf32>
      %parallel_loop3A_665 = arith.addf %parallel_loop3A_380, %parallel_loop3A_664 : vector<16xf32>
      scf.yield %parallel_loop3A_665 : vector<16xf32>
    } {sc.loop_unroll_factor = 8 : i64, sc.parallel_access}
    %mul3A_373 = arith.constant 6.10351563E-5 : f32
    %mul3A_374 = vector.broadcast %mul3A_373 : f32 to vector<16xf32>
    %mul3A_375 = arith.mulf %parallel_loop3A_372, %mul3A_374 : vector<16xf32>
    %swap3A = arith.constant 0 : index
    %swap3A_376 = tpu.vector_load %arg11[%swap3A] {strides = array<i32>} : memref<16xf32, #tpu.memory_space<vmem>>, vector<16xf32>,
    tpu.vector_store %arg11[%swap3A], %mul3A_375 {strides = array<i32>} : memref<16xf32, #tpu.memory_space<vmem>>, vector<16xf32>,
    %mul3A_377 = arith.constant 16 : i32
    %mul3A_378 = arith.muli %add3A, %mul3A_377 : i32
    "tpu.region"() ({
      %run_scoped3A = tpu.sem_alloc : memref<!tpu.dma_semaphore, #tpu.memory_space<semaphore_mem>>
      %dma_start3A_379 = tpu.memref_slice %arg6[%mul3A_378] : memref<512xf32, #tpu.memory_space<hbm>> -> memref<16xf32, #tpu.memory_space<hbm>>
      %dma_start3A_380 = tpu.memref_slice %arg6[%mul3A_378] : memref<512xf32, #tpu.memory_space<hbm>> -> memref<16xf32, #tpu.memory_space<hbm>>
      tpu.enqueue_dma source(%arg11 : memref<16xf32, #tpu.memory_space<vmem>>) target(%dma_start3A_380 : memref<16xf32, #tpu.memory_space<hbm>>) target_semaphore(%run_scoped3A : memref<!tpu.dma_semaphore, #tpu.memory_space<semaphore_mem>>)
      %dma_wait3A_381 = tpu.memref_slice %arg6[%mul3A_378] : memref<512xf32, #tpu.memory_space<hbm>> -> memref<16xf32, #tpu.memory_space<hbm>>
      %dma_wait3A_382 = tpu.memref_slice %arg6[%mul3A_378] : memref<512xf32, #tpu.memory_space<hbm>> -> memref<16xf32, #tpu.memory_space<hbm>>
      tpu.wait_dma2 semaphore(%run_scoped3A : memref<!tpu.dma_semaphore, #tpu.memory_space<semaphore_mem>>) src(%arg11 : memref<16xf32, #tpu.memory_space<vmem>>) dst(%dma_wait3A_382 : memref<16xf32, #tpu.memory_space<hbm>>)
      tpu.yield
    }) : () -> ()
    return
  }
}

module attributes {stable_mosaic.version = 14 : i64} {
  func.func @_matmul_body(%arg0: memref<100x128xf32, #tpu.memory_space<vmem>>, %arg1: memref<100x128xf32, #tpu.memory_space<vmem>>, %arg2: memref<128x128xf32, #tpu.memory_space<vmem>>) attributes {dimension_semantics = [], scalar_prefetch = 0 : i64, scratch_operands = 0 : i64, tpu.core_type = #tpu.core_type<tc>} {
    %get3A = arith.constant 0 : index
    %get3A_0 = arith.constant 0 : index
    %get3A_1 = vector.load %arg0[%get3A, %get3A_0] : memref<100x128xf32, #tpu.memory_space<vmem>>, vector<100x128xf32>
    %jit3A = arith.constant 0 : i32
    %convert_element_type3A = arith.sitofp %jit3A : i32 to f32
    %pad3A = vector.broadcast %convert_element_type3A : f32 to vector<28x128xf32>
    %pad3A_2 = tpu.concatenate %get3A_1, %pad3A in 0 : vector<100x128xf32>, vector<28x128xf32> -> vector<128x128xf32>
    %get3A_3 = arith.constant 0 : index
    %get3A_4 = arith.constant 0 : index
    %get3A_5 = vector.load %arg1[%get3A_3, %get3A_4] : memref<100x128xf32, #tpu.memory_space<vmem>>, vector<100x128xf32>
    %jit3A_6 = arith.constant 0 : i32
    %convert_element_type3A_7 = arith.sitofp %jit3A_6 : i32 to f32
    %pad3A_8 = vector.broadcast %convert_element_type3A_7 : f32 to vector<28x128xf32>
    %pad3A_9 = tpu.concatenate %get3A_5, %pad3A_8 in 0 : vector<100x128xf32>, vector<28x128xf32> -> vector<128x128xf32>
    %dot_general3A = arith.constant dense<0.000000e+00> : vector<128x128xf32>
    %dot_general3A_10 = tpu.matmul %pad3A_2, %pad3A_9, %dot_general3A {dimension_numbers = #tpu.dot_dimension_numbers<[1], [1], [0], [0], [0, 0, 1, 0], [], []>, transpose_lhs_hint = false} : vector<128x128xf32>, vector<128x128xf32>, vector<128x128xf32> -> vector<128x128xf32>
    %swap3A = arith.constant 0 : index
    %swap3A_11 = arith.constant 0 : index
    %swap3A_12 = vector.load %arg2[%swap3A, %swap3A_11] : memref<128x128xf32, #tpu.memory_space<vmem>>, vector<128x128xf32>
    tpu.vector_store %arg2[%swap3A, %swap3A_11], %dot_general3A_10 {strides = array<i32>} : memref<128x128xf32, #tpu.memory_space<vmem>>, vector<128x128xf32>,
    return
  }
}

</mosaic_0001>

<sc_bundles>
// kernel: kernel.4.cloned.1.call-start
scs
__scs_entry_jumppad:
0x0: {  	(pc) =	sbr.rel $0x88, $3  }
0x1: {  	(tag) =	ssettag $0x0;
	lr =	simm.s32 $0x1  }
0x2: {  	[smem:$0x3F9C] =	sst lr;
	_ =	strace $0xD0000000  }
0x3: {  	_ = 	snop  }
0x4: {  	_ = 	snop  }
0x5: {  	_ = 	snop  }
0x6: {  	_ = 	snop  }
0x7: {  	_ = 	snop  }
__scs_overlays_trampoline_lowered:
0x8: {  	[smem:$0x3FAB] =	sst s0  }
0x9: {  	[smem:$0x3FAC] =	sst s1  }
0xa: {  	[smem:$0x3FAD] =	sst s2  }
0xb: {  	[smem:$0x3FAE] =	sst s3  }
0xc: {  	[smem:$0x3FAF] =	sst s4  }
0xd: {  	[smem:$0x3FB0] =	sst s5  }
0xe: {  	[smem:$0x3FB1] =	sst s6  }
0xf: {  	[smem:$0x3FB2] =	sst s7  }
0x10: {  	[smem:$0x3FB3] =	sst s8  }
0x11: {  	[smem:$0x3FB4] =	sst s9;
	s0 =	simm.s32 @!p0 $0x0  }
0x12: {  	s1 =	sld [smem:$0x3F9A];
	s0 =	simm.s32 @p0 $0x1  }
0x13: {  	[smem:$0x3FB5] =	sst s0;
	s0 =	simm.s32 @!p1 $0x0  }
0x14: {  	s2 =	sld [smem:$0x3F99];
	s0 =	simm.s32 @p1 $0x1  }
0x15: {  	[smem:$0x3FB6] =	sst s0;
	s0 =	simm.s32 @!p2 $0x0  }
0x16: {  	s3 =	sld [smem:$0x3FDB];
	s0 =	simm.s32 @p2 $0x1  }
0x17: {  	s4 =	simm.s32 $0x1BF5;
	[smem:$0x3FB8] =	sst s0  }
0x18: {  	s0 =	sld [smem:$0x3F9B];
	_ =	swait.ge [sflag:s4], $0x0  }
0x19: {  	s7 =	sld [smem:$0x3F9C]  }
0x1a: {  	s8 =	sadd.s32 $0xFFFFE003, lr  }
0x1b: {  	s9 =	sadd.s32 $0xFFFFFEF7, lr;
	s5 =	simm.s32 $0xFFFFFFFF;
	p2 =	slt.u32 s8, $0xFFFFF086  }
0x1c: {  	p1 =	slt.u32 s9, $0xF7A;
	s5 =	simm.s32 @!p2 $0x0  }
0x1d: {  	s5 =	simm.s32 @p1 $0x1;
	p0 =	seq.s32 s7, s2  }
0x1e: {  	s7 =	smul.u32 @!p0 $0xF7A, s2;
	p2 =	seq.s32 @!p0 s5, $0x0  }
0x1f: {  	s9 =	smul.u32 $0xF7A, s1;
	s8 =	simm.s32 @!p0 $0x1BF5;
	p2 =	por !p2, p0  }
0x20: {  	[sflag:s8] =	ssyncset.s32 @!p0 $0xFFFFF086;
	s6 =	sadd.s32 @!p0 s3, s7;
	s7 =	simm.s32 @!p0 $0x108  }
0x21: {  	s3 =	sadd.s32 s3, s9;
	s6 =	sadd.s32 @!p0 $0x88, s6;
	s7 =	simm.s32 @p2 $0x1082  }
0x22: {  	[simem:s7], [sflag:s8] =	dma.local @!p0 [hbm:s6], $0xF7A  }
0x23: {  	s9 =	sor.u32 $0xD0000000, s2;
	s6 =	simm.s32 $0x108;
	_ =	swait.ge @!p0 [sflag:s8], $0x0  }
0x24: {  	s3 =	sadd.s32 $0x88, s3;
	s6 =	simm.s32 @!p1 $0x1082;
	[sflag:s4] =	ssyncset.s32 $0xFFFFF086  }
0x25: {  	[simem:s6], [sflag:s4] =	dma.local [hbm:s3], $0xF7A  }
0x26: {  	[smem:$0x3F9C] =	sst s1;
	(tag) =	ssettag s2;
	_ =	strace s9  }
0x27: {  	s1 =	sld [smem:$0x3FAC]  }
0x28: {  	s2 =	sld [smem:$0x3FAD]  }
0x29: {  	s4 =	sld [smem:$0x3FAF]  }
0x2a: {  	p0 =	seq.s32 s5, $0x0;
	s5 =	sld [smem:$0x3FB0]  }
0x2b: {  	s6 =	sld [smem:$0x3FB1]  }
0x2c: {  	s7 =	sld [smem:$0x3FB2]  }
0x2d: {  	s3 =	simm.s32 $0x108;
	s8 =	sld [smem:$0x3FB3]  }
0x2e: {  	s3 =	simm.s32 @!p0 $0x1082;
	s9 =	sld [smem:$0x3FB4]  }
0x2f: {  	lr =	sadd.s32 s0, s3;
	s0 =	sld [smem:$0x3FAB]  }
0x30: {  	s3 =	sld [smem:$0x3FAE]  }
0x31: {  	[smem:$0x3FB7] =	sst s10  }
0x32: {  	s10 =	sld [smem:$0x3FB5];
	_ =	sdelay $0x3  }
0x33: {  	p0 =	seq.s32 s10, $0x1;
	s10 =	sld [smem:$0x3FB7];
	_ =	sdelay $0x3  }
0x34: {  	[smem:$0x3FB7] =	sst s10  }
0x35: {  	s10 =	sld [smem:$0x3FB6];
	_ =	sdelay $0x3  }
0x36: {  	p1 =	seq.s32 s10, $0x1;
	s10 =	sld [smem:$0x3FB7];
	_ =	sdelay $0x3  }
0x37: {  	[smem:$0x3FB7] =	sst s10  }
0x38: {  	s10 =	sld [smem:$0x3FB8]  }
0x39: {  	_ = 	snop;
	(pc) =	sbr.ind lr, $3  }
0x3a: {  	_ = 	snop  }
0x3b: {  	_ = 	snop  }
0x3c: {  	p2 =	seq.s32 s10, $0x1;
	s10 =	sld [smem:$0x3FB7]  }
0x3d: {  	_ =	shalt  }
0x3e: {  	_ =	shalt  }
0x3f: {  	_ =	shalt  }
0x40: {  	_ =	shalt  }
0x41: {  	_ =	shalt  }
0x42: {  	_ =	shalt  }
0x43: {  	_ =	shalt  }
0x44: {  	_ =	shalt  }
0x45: {  	_ =	shalt  }
0x46: {  	_ =	shalt  }
0x47: {  	_ =	shalt  }
0x48: {  	_ =	shalt  }
0x49: {  	_ =	shalt  }
0x4a: {  	_ =	shalt  }
0x4b: {  	_ =	shalt  }
0x4c: {  	_ =	shalt  }
0x4d: {  	_ =	shalt  }
0x4e: {  	_ =	shalt  }
0x4f: {  	_ =	shalt  }
0x50: {  	_ =	shalt  }
0x51: {  	_ =	shalt  }
0x52: {  	_ =	shalt  }
0x53: {  	_ =	shalt  }
0x54: {  	_ =	shalt  }
0x55: {  	_ =	shalt  }
0x56: {  	_ =	shalt  }
0x57: {  	_ =	shalt  }
0x58: {  	_ =	shalt  }
0x59: {  	_ =	shalt  }
0x5a: {  	_ =	shalt  }
0x5b: {  	_ =	shalt  }
0x5c: {  	_ =	shalt  }
0x5d: {  	_ =	shalt  }
0x5e: {  	_ =	shalt  }
0x5f: {  	_ =	shalt  }
0x60: {  	_ =	shalt  }
0x61: {  	_ =	shalt  }
0x62: {  	_ =	shalt  }
0x63: {  	_ =	shalt  }
0x64: {  	_ =	shalt  }
0x65: {  	_ =	shalt  }
0x66: {  	_ =	shalt  }
0x67: {  	_ =	shalt  }
0x68: {  	_ =	shalt  }
0x69: {  	_ =	shalt  }
0x6a: {  	_ =	shalt  }
0x6b: {  	_ =	shalt  }
0x6c: {  	_ =	shalt  }
0x6d: {  	_ =	shalt  }
0x6e: {  	_ =	shalt  }
0x6f: {  	_ =	shalt  }
0x70: {  	_ =	shalt  }
0x71: {  	_ =	shalt  }
0x72: {  	_ =	shalt  }
0x73: {  	_ =	shalt  }
0x74: {  	_ =	shalt  }
0x75: {  	_ =	shalt  }
0x76: {  	_ =	shalt  }
0x77: {  	_ =	shalt  }
0x78: {  	_ =	shalt  }
0x79: {  	_ =	shalt  }
0x7a: {  	_ =	shalt  }
0x7b: {  	_ =	shalt  }
0x7c: {  	_ =	shalt  }
0x7d: {  	_ =	shalt  }
0x7e: {  	_ =	shalt  }
0x7f: {  	_ =	shalt  }
0x80: {  	_ =	shalt  }
0x81: {  	_ =	shalt  }
0x82: {  	_ =	shalt  }
0x83: {  	_ =	shalt  }
0x84: {  	_ =	shalt  }
0x85: {  	_ =	shalt  }
0x86: {  	_ =	shalt  }
0x87: {  	_ =	shalt  }
.Lfunc_end0:
.L_simem_size_0:
called_computation_lowered:
.L_overlay_start_0:
0x88: {  	s2 =	sld [smem:$0x3FD9]  }
0x89: {  	s3 =	sld [smem:$0x3FFE];
	_ =	sdelay $0x1  }
0x8a: {  	s1 =	srdreg.scid  }
0x8b: {  	s0 =	sand.u32 $0x1, s1  }
0x8c: {  	s17 =	sshll.u32 s0, $0xA;
	s2 =	sadd.s32 s3, s2  }
0x8d: {  	s2 =	sadd.s32 s2, s17  }
0x8e: {  	[smem:$0x3FC3] =	sst s2  }
0x8f: {  	_ = 	snop  }
0x90: {  	s2 =	sld [smem:$0x3FC9]  }
0x91: {  	s18 =	sld [smem:$0x3FC8]  }
0x92: {  	s4 =	sld [smem:$0x3FC7];
	(tm) =	ssettm $0x1  }
0x93: {  	s5 =	sld [smem:$0x3FFB];
	_ =	sdelay $0x3  }
0x94: {  	_ =	strace s5  }
0x95: {  	s5 =	sld [smem:$0x3FFC];
	_ =	sdelay $0x3  }
0x96: {  	_ =	strace s5  }
0x97: {  	s5 =	sld [smem:$0x3FFD];
	_ =	sdelay $0x3  }
0x98: {  	_ =	strace s5  }
0x99: {  	_ =	strace $0x8FFFFFFF  }
0x9a: {  	s19 =	sld [smem:$0x3FDB];
	_ =	sdelay $0x1  }
0x9b: {  	s6 =	simm.s32 $_scs_section_size  }
0x9c: {  	s7 =	simm.s32 $_size__tile_overlayer_lowered;
	s8 =	simm.s32 $_tile_overlayer_lowered  }
0x9d: {  	s22 =	simm.s32 $0x1BFF;
	s21 =	sshll.u32 s8, $0x1;
	s5 =	sadd.s32 s6, s19  }
0x9e: {  	s9 =	simm.s32 $0x0;
	s20 =	sshll.u32 s7, $0x1;
	s7 =	sadd.s32 s21, s5  }
0x9f: {  	[timem:s9], [sflag:s22] =	dma.local [hbm:s7], s20  }
0xa0: {  	_ =	swait.ge [sflag:s22], s20  }
0xa1: {  	s6 =	ssub.s32 $0x0, s20;
	[sflag:s22] =	ssyncset.done $0x0  }
0xa2: {  	[sflag:s22] =	ssyncadd.s32 s6;
	_ =	sdelay $0x1  }
0xa3: {  	s23 =	simm.s32 $0x1B8B  }
0xa4: {  	_ =	swait.ge [sflag:s23], $0x1  }
0xa5: {  	[sflag:s23] =	ssyncset.done $0x0  }
0xa6: {  	s25 =	simm.s32 $0x1B8E;
	s24 =	sld [smem:$0x3FFE];
	[sflag:s23] =	ssyncadd.s32 $0xFFFFFFFF  }
0xa7: {  	s26 =	simm.s32 $execute0_lowered;
	[smem:$0x3FD2] =	sst s25  }
0xa8: {  	s7 =	sshll.u32 s26, $0x1;
	_ =	strace $0x80000046;
	[dreg:$0x1] =	wrdreg $0xFFFFFFFF  }
0xa9: {  	s28 =	simm.s32 $_size_execute0_lowered;
	s5 =	sadd.s32 s5, s7;
	[dreg:$0x0] =	wrdreg $0x0  }
0xaa: {  	s7 =	sshll.u32 s28, $0x1;
	[dreg:$0x2] =	wrdreg s5  }
0xab: {  	[dreg:$0x3] =	wrdreg s7  }
0xac: {  	[dreg:$0x4] =	wrdreg $0xC0  }
0xad: {  	_ =	task [dreg:s9], $0x5FFFF  }
0xae: {  	[dreg:$0x1] =	wrdreg $0xFFFFFFFF  }
0xaf: {  	[dreg:$0x0] =	wrdreg $0x60  }
0xb0: {  	[dreg:$0x2] =	wrdreg s24  }
0xb1: {  	[dreg:$0x3] =	wrdreg s2  }
0xb2: {  	[dreg:$0x4] =	wrdreg s18  }
0xb3: {  	[dreg:$0x5] =	wrdreg s4  }
0xb4: {  	[dreg:$0x6] =	wrdreg $0x9  }
0xb5: {  	_ =	task.clear_ibuf [dreg:s9], $0x7FFFF;
	_ =	strace $0x90000046  }
0xb6: {  	s29 =	simm.s32 $0x9;
	_ =	strace $0x80000048  }
0xb7: {  	_ =	swait.ge [sflag:s29], $0x1  }
0xb8: {  	[sflag:s29] =	ssyncadd.s32 $0xFFFFFFFF  }
0xb9: {  	_ =	strace $0x90000048  }
0xba: {  	_ =	sfence  }
0xbb: {  	s30 =	sld [smem:$0x0];
	_ =	sdelay $0x2  }
0xbc: {  	s31 =	sshll.u32 s1, $0xD;
	s1 =	sshrl.u32 s1, $0x2  }
0xbd: {  	s3 =	sand.u32 $0x4000, s31;
	s1 =	sadd.s32 s1, s30  }
0xbe: {  	s0 =	sor.u32 s3, s0;
	s1 =	sshll.u32 s1, $0x11  }
0xbf: {  	s0 =	sor.u32 s1, s0  }
0xc0: {  	s0 =	sadd.s32 $0x8F2B, s0  }
0xc1: {  	[sflag:s0] =	ssyncadd.remote.s32 $0x1  }
0xc2: {  	_ =	sfence.sel $0xFFFF  }
0xc3: {  	[dreg:$0x0] =	wrdreg $0xFFFFFFFF;
	(pc) =	sbr.abs _section_cstart, $3  }
0xc4: {  	[dreg:$0x1] =	wrdreg $0xFFFFFFFF  }
0xc5: {  	_ =	task.clear_ibuf [dreg:s9], $0x2FFFF;
	_ =	strace $0x9FFFFFFF  }
0xc6: {  	(tm) =	ssettm $0x7FFFFFFF  }
0xc7: {  	_ =	shalt  }
tec
execute0_lowered:
.L_overlay_start_1:
0x0: {  	(tag) =	ssettag $0x1  }
0x1: {  	s0 =	rddreg [dreg:$0x0]  }
0x2: {  	s1 =	rddreg [dreg:$0x1]  }
0x3: {  	s3 =	rddreg [dreg:$0x2]  }
0x4: {  	s4 =	rddreg [dreg:$0x3];
	s2 =	simm.s32 $0x0  }
0x5: {  	s5 =	srdreg.scid;
	s6 =	stileid.u32;
	s31 =	simm.s32 $0x80  }
0x6: {  	s30 =	simm.s32 $0x1;
	s29 =	simm.s32 $0x2;
	[smem:$0x7FF] =	sst s2  }
0x7: {  	s5 =	sand.u32 $0x1, s5;
	s6 =	sshll.u32 s6, $0x1;
	s7 =	sadd.s32 $0x600, s0  }
0x8: {  	_ =	strace $0x80000047;
	s6 =	sor.u32 s5, s6;
	[dreg:$0x5] =	wrdreg s7  }
0x9: {  	s5 =	ssub.s32 $0x2, s5;
	s7 =	simm.s32 $0x0;
	s18 =	sshll.u32 s6, $0x1  }
0xa: {  	s19 =	sshrl.u32 s5, $0x1;
	s8 =	sshll.u32 s6, $0x9;
	s6 =	sshll.u32 s6, $0x6  }
0xb: {  	s0 =	sadd.s32 s18, s0;
	s5 =	ssub.s32 s5, s19;
	s1 =	sadd.s32 s1, s6  }
0xc: {  	s4 =	sadd.s32 s4, s8;
	s20 =	sadd.s32 s3, s6;
	[dreg:$0x6] =	wrdreg s1  }
0xd: {  	v63 =	vlaneseq.u32;
	s3 =	simm.s32 $0x3;
	s6 =	simm.s32 $0x5;
	[dreg:$0x7] =	wrdreg s20  }
0xe: {  	v1 =	vor.u32 $0x200, v63;
	s21 =	sadd.s32 $0x10, s4;
	s22 =	sadd.s32 $0x20, s4;
	s23 =	sadd.s32 $0x30, s4  }
0xf: {  	v2 =	vor.u32 $0x400, v63;
	[tilespmem:$0x1FF70] =	vst v1;
	s24 =	sadd.s32 $0x40, s4;
	s25 =	sadd.s32 $0x50, s4;
	s26 =	sadd.s32 $0x60, s4  }
0x10: {  	v3 =	vor.u32 $0x1800, v63;
	[tilespmem:$0x1FF80] =	vst v2;
	s13 =	sadd.s32 $0x70, s4;
	s14 =	sadd.s32 $0x4000, s4;
	[dreg:$0x8] =	wrdreg s21  }
0x11: {  	v4 =	vor.u32 $0x1A00, v63;
	[tilespmem:$0x1FF90] =	vst v3;
	s15 =	sadd.s32 $0x4010, s4;
	s16 =	sadd.s32 $0x4020, s4;
	[dreg:$0x9] =	wrdreg s22  }
0x12: {  	v5 =	vor.u32 $0x1E00, v63;
	[tilespmem:$0x1FFA0] =	vst v4;
	s17 =	sadd.s32 $0x4030, s4;
	s18 =	sadd.s32 $0x4040, s4;
	[dreg:$0xa] =	wrdreg s23  }
0x13: {  	v10 =	vor.u32 $0x600, v63;
	v6 =	vor.u32 $0x1C00, v63;
	[tilespmem:$0x1FFB0] =	vst v5;
	s19 =	sadd.s32 $0x4050, s4;
	s20 =	sadd.s32 $0x4060, s4;
	[dreg:$0xb] =	wrdreg s24  }
0x14: {  	v14 =	vor.u32 $0x800, v63;
	v15 =	vor.u32 $0xA00, v63;
	v7 =	vor.u32 $0x2200, v63;
	[tilespmem:$0x1FFC0] =	vst v6;
	s28 =	sadd.s32 $0x8030, s4;
	s1 =	simm.s32 $0x4400;
	[dreg:$0xc] =	wrdreg s25  }
0x15: {  	v16 =	vor.u32 $0xC00, v63;
	v17 =	vor.u32 $0xE00, v63;
	v8 =	vor.u32 $0x2400, v63;
	[tilespmem:$0x1FFD0] =	vst v7;
	[dreg:$0xd] =	wrdreg s26;
	s21 =	sadd.s32 $0x4070, s4;
	s22 =	sadd.s32 $0x8000, s4  }
0x16: {  	v18 =	vor.u32 $0x1000, v63;
	v19 =	vor.u32 $0x1200, v63;
	v20 =	vor.u32 $0x1400, v63;
	[tilespmem:$0x1FFE0] =	vst v8;
	s23 =	sadd.s32 $0x8010, s4;
	s24 =	sadd.s32 $0xE00, s0;
	s25 =	smax.u32 s5, $0x1  }
0x17: {  	v13 =	vor.u32 $0x1600, v63;
	v12 =	vor.u32 $0x2000, v63;
	v11 =	vor.u32 $0x2600, v63;
	[tilespmem:$0x1FFF0] =	vst v10;
	s26 =	sadd.s32 $0x8020, s4;
	s0 =	simm.s32 $0x400;
	s5 =	simm.s32 $0x4  }
.LBB2_1:
0x18: {  	s8 =	rddreg [dreg:$0x5]  }
0x19: {  	[tilespmem:s2], [sflag:$0x1] =	stream.linear.gather [hbm4b:s8+s2], $0x4000, $0x38;
	[tilespmem:$0x6C80] =	vst v63  }
0x1a: {  	s12 =	rddreg [dreg:$0x6];
	s9 =	simm.s32 $0x4000  }
0x1b: {  	[tilespmem:s9], [sflag:$0x2] =	stream.linear.gather [hbm4b:s12+s2], $0x200, $0x38;
	[tilespmem:$0x6C80] =	vst v63  }
0x1c: {  	s10 =	simm.s32 $0x4200;
	s9 =	rddreg [dreg:$0x7]  }
0x1d: {  	[tilespmem:s10], [sflag:$0x3] =	stream.linear.gather [hbm4b:s9+s2], $0x200, $0x38;
	[tilespmem:$0x6C80] =	vst v63  }
0x1e: {  	_ = 	snop  }
0x1f: {  	[tilespmem:s1], [sflag:$0x4] =	stream.strided.gather [hbm4b:s4+s31], $0x200, s0, s31, $0x38;
	[tilespmem:$0x6C80] =	vst v63  }
0x20: {  	s11 =	rddreg [dreg:$0x8];
	s12 =	simm.s32 $0x4600  }
0x21: {  	[tilespmem:s12], [sflag:$0x4] =	stream.strided.gather [hbm4b:s11+s31], $0x200, s0, s31, $0x38;
	[tilespmem:$0x6C80] =	vst v63  }
0x22: {  	s9 =	rddreg [dreg:$0x9];
	s10 =	simm.s32 $0x4800  }
0x23: {  	[tilespmem:s10], [sflag:$0x4] =	stream.strided.gather [hbm4b:s9+s31], $0x200, s0, s31, $0x38;
	[tilespmem:$0x6C80] =	vst v63  }
0x24: {  	s11 =	rddreg [dreg:$0xa];
	s12 =	simm.s32 $0x4A00  }
0x25: {  	[tilespmem:s12], [sflag:$0x4] =	stream.strided.gather [hbm4b:s11+s31], $0x200, s0, s31, $0x38;
	[tilespmem:$0x6C80] =	vst v63  }
0x26: {  	s9 =	rddreg [dreg:$0xb];
	s10 =	simm.s32 $0x4C00  }
0x27: {  	[tilespmem:s10], [sflag:$0x4] =	stream.strided.gather [hbm4b:s9+s31], $0x200, s0, s31, $0x38;
	[tilespmem:$0x6C80] =	vst v63  }
0x28: {  	s11 =	rddreg [dreg:$0xc];
	s12 =	simm.s32 $0x4E00  }
0x29: {  	[tilespmem:s12], [sflag:$0x4] =	stream.strided.gather [hbm4b:s11+s31], $0x200, s0, s31, $0x38;
	[tilespmem:$0x6C80] =	vst v63  }
0x2a: {  	s10 =	rddreg [dreg:$0xd];
	s11 =	simm.s32 $0x5000  }
0x2b: {  	[tilespmem:s11], [sflag:$0x4] =	stream.strided.gather [hbm4b:s10+s31], $0x200, s0, s31, $0x38;
	[tilespmem:$0x6C80] =	vst v63  }
0x2c: {  	s12 =	simm.s32 $0x5200  }
0x2d: {  	[tilespmem:s12], [sflag:$0x4] =	stream.strided.gather [hbm4b:s13+s31], $0x200, s0, s31, $0x38;
	[tilespmem:$0x6C80] =	vst v63  }
0x2e: {  	s9 =	simm.s32 $0x5400  }
0x2f: {  	[tilespmem:s9], [sflag:$0x4] =	stream.strided.gather [hbm4b:s14+s31], $0x200, s0, s31, $0x38;
	[tilespmem:$0x6C80] =	vst v63  }
0x30: {  	s10 =	simm.s32 $0x5600  }
0x31: {  	[tilespmem:s10], [sflag:$0x4] =	stream.strided.gather [hbm4b:s15+s31], $0x200, s0, s31, $0x38;
	[tilespmem:$0x6C80] =	vst v63  }
0x32: {  	s11 =	simm.s32 $0x5800  }
0x33: {  	[tilespmem:s11], [sflag:$0x4] =	stream.strided.gather [hbm4b:s16+s31], $0x200, s0, s31, $0x38;
	[tilespmem:$0x6C80] =	vst v63  }
0x34: {  	s12 =	simm.s32 $0x5A00  }
0x35: {  	[tilespmem:s12], [sflag:$0x4] =	stream.strided.gather [hbm4b:s17+s31], $0x200, s0, s31, $0x38;
	[tilespmem:$0x6C80] =	vst v63  }
0x36: {  	s9 =	simm.s32 $0x5C00  }
0x37: {  	[tilespmem:s9], [sflag:$0x4] =	stream.strided.gather [hbm4b:s18+s31], $0x200, s0, s31, $0x38;
	[tilespmem:$0x6C80] =	vst v63  }
0x38: {  	s10 =	simm.s32 $0x5E00  }
0x39: {  	[tilespmem:s10], [sflag:$0x4] =	stream.strided.gather [hbm4b:s19+s31], $0x200, s0, s31, $0x38;
	[tilespmem:$0x6C80] =	vst v63  }
0x3a: {  	s11 =	simm.s32 $0x6000  }
0x3b: {  	[tilespmem:s11], [sflag:$0x4] =	stream.strided.gather [hbm4b:s20+s31], $0x200, s0, s31, $0x38;
	[tilespmem:$0x6C80] =	vst v63  }
0x3c: {  	s12 =	simm.s32 $0x6200  }
0x3d: {  	[tilespmem:s12], [sflag:$0x4] =	stream.strided.gather [hbm4b:s21+s31], $0x200, s0, s31, $0x38;
	[tilespmem:$0x6C80] =	vst v63  }
0x3e: {  	s9 =	simm.s32 $0x6400  }
0x3f: {  	[tilespmem:s9], [sflag:$0x4] =	stream.strided.gather [hbm4b:s22+s31], $0x200, s0, s31, $0x38;
	[tilespmem:$0x6C80] =	vst v63  }
0x40: {  	s10 =	simm.s32 $0x6600  }
0x41: {  	[tilespmem:s10], [sflag:$0x4] =	stream.strided.gather [hbm4b:s23+s31], $0x200, s0, s31, $0x38;
	[tilespmem:$0x6C80] =	vst v63  }
0x42: {  	s11 =	simm.s32 $0x6800  }
0x43: {  	[tilespmem:s11], [sflag:$0x4] =	stream.strided.gather [hbm4b:s26+s31], $0x200, s0, s31, $0x38;
	[tilespmem:$0x6C80] =	vst v63  }
0x44: {  	s12 =	simm.s32 $0x6A00  }
0x45: {  	[tilespmem:s12], [sflag:$0x4] =	stream.strided.gather [hbm4b:s28+s31], $0x200, s0, s31, $0x38;
	[tilespmem:$0x6C80] =	vst v63  }
0x46: {  	_ =	swait.ge [sflag:s30], $0x4000  }
0x47: {  	[sflag:s30] =	ssyncset.done $0x0  }
0x48: {  	[sflag:s30] =	ssyncadd.s32 $0xFFFFC000  }
0x49: {  	_ =	swait.ge [sflag:s29], $0x200  }
0x4a: {  	[sflag:s29] =	ssyncset.done $0x0  }
0x4b: {  	[sflag:s29] =	ssyncadd.s32 $0xFFFFFE00  }
0x4c: {  	_ =	swait.ge [sflag:s3], $0x200  }
0x4d: {  	[sflag:s3] =	ssyncset.done $0x0  }
0x4e: {  	[sflag:s3] =	ssyncadd.s32 $0xFFFFFE00  }
0x4f: {  	_ =	swait.ge [sflag:s5], $0x200  }
0x50: {  	[sflag:s5] =	ssyncset.done $0x0  }
0x51: {  	[sflag:s5] =	ssyncadd.s32 $0xFFFFFE00  }
0x52: {  	_ =	swait.ge [sflag:s5], $0x200  }
0x53: {  	[sflag:s5] =	ssyncset.done $0x0  }
0x54: {  	[sflag:s5] =	ssyncadd.s32 $0xFFFFFE00  }
0x55: {  	_ =	swait.ge [sflag:s5], $0x200  }
0x56: {  	[sflag:s5] =	ssyncset.done $0x0  }
0x57: {  	[sflag:s5] =	ssyncadd.s32 $0xFFFFFE00  }
0x58: {  	_ =	swait.ge [sflag:s5], $0x200  }
0x59: {  	[sflag:s5] =	ssyncset.done $0x0  }
0x5a: {  	[sflag:s5] =	ssyncadd.s32 $0xFFFFFE00  }
0x5b: {  	_ =	swait.ge [sflag:s5], $0x200  }
0x5c: {  	[sflag:s5] =	ssyncset.done $0x0  }
0x5d: {  	[sflag:s5] =	ssyncadd.s32 $0xFFFFFE00  }
0x5e: {  	_ =	swait.ge [sflag:s5], $0x200  }
0x5f: {  	[sflag:s5] =	ssyncset.done $0x0  }
0x60: {  	[sflag:s5] =	ssyncadd.s32 $0xFFFFFE00  }
0x61: {  	_ =	swait.ge [sflag:s5], $0x200  }
0x62: {  	[sflag:s5] =	ssyncset.done $0x0  }
0x63: {  	[sflag:s5] =	ssyncadd.s32 $0xFFFFFE00  }
0x64: {  	_ =	swait.ge [sflag:s5], $0x200  }
0x65: {  	[sflag:s5] =	ssyncset.done $0x0  }
0x66: {  	[sflag:s5] =	ssyncadd.s32 $0xFFFFFE00  }
0x67: {  	_ =	swait.ge [sflag:s5], $0x200  }
0x68: {  	[sflag:s5] =	ssyncset.done $0x0  }
0x69: {  	[sflag:s5] =	ssyncadd.s32 $0xFFFFFE00  }
0x6a: {  	_ =	swait.ge [sflag:s5], $0x200  }
0x6b: {  	[sflag:s5] =	ssyncset.done $0x0  }
0x6c: {  	[sflag:s5] =	ssyncadd.s32 $0xFFFFFE00  }
0x6d: {  	_ =	swait.ge [sflag:s5], $0x200  }
0x6e: {  	[sflag:s5] =	ssyncset.done $0x0  }
0x6f: {  	[sflag:s5] =	ssyncadd.s32 $0xFFFFFE00  }
0x70: {  	_ =	swait.ge [sflag:s5], $0x200  }
0x71: {  	[sflag:s5] =	ssyncset.done $0x0  }
0x72: {  	[sflag:s5] =	ssyncadd.s32 $0xFFFFFE00  }
0x73: {  	_ =	swait.ge [sflag:s5], $0x200  }
0x74: {  	[sflag:s5] =	ssyncset.done $0x0  }
0x75: {  	[sflag:s5] =	ssyncadd.s32 $0xFFFFFE00  }
0x76: {  	_ =	swait.ge [sflag:s5], $0x200  }
0x77: {  	[sflag:s5] =	ssyncset.done $0x0  }
0x78: {  	[sflag:s5] =	ssyncadd.s32 $0xFFFFFE00  }
0x79: {  	_ =	swait.ge [sflag:s5], $0x200  }
0x7a: {  	[sflag:s5] =	ssyncset.done $0x0  }
0x7b: {  	[sflag:s5] =	ssyncadd.s32 $0xFFFFFE00  }
0x7c: {  	_ =	swait.ge [sflag:s5], $0x200  }
0x7d: {  	[sflag:s5] =	ssyncset.done $0x0  }
0x7e: {  	[sflag:s5] =	ssyncadd.s32 $0xFFFFFE00  }
0x7f: {  	_ =	swait.ge [sflag:s5], $0x200  }
0x80: {  	[sflag:s5] =	ssyncset.done $0x0  }
0x81: {  	[sflag:s5] =	ssyncadd.s32 $0xFFFFFE00  }
0x82: {  	_ =	swait.ge [sflag:s5], $0x200  }
0x83: {  	[sflag:s5] =	ssyncset.done $0x0  }
0x84: {  	[sflag:s5] =	ssyncadd.s32 $0xFFFFFE00  }
0x85: {  	_ =	swait.ge [sflag:s5], $0x200  }
0x86: {  	[sflag:s5] =	ssyncset.done $0x0  }
0x87: {  	[sflag:s5] =	ssyncadd.s32 $0xFFFFFE00  }
0x88: {  	_ =	swait.ge [sflag:s5], $0x200  }
0x89: {  	s8 =	simm.s32 $0xFFFFFFF8;
	s9 =	simm.s32 $0x70;
	[sflag:s5] =	ssyncset.done $0x0  }
0x8a: {  	v0 =	vimm.f32 $0.0e+00;
	s10 =	simm.s32 $0x4040;
	s11 =	simm.s32 $0x4240;
	[sflag:s5] =	ssyncadd.s32 $0xFFFFFE00  }
.LBB2_2:
0x8b: {  	s12 =	sadd.s32 $0xFFFFFF90, s9  }
0x8c: {  	v22 =	vor.u32 s12, v63;
	_ =	sdelay $0x3  }
0x8d: {  	v25 =	vld [tilespmem:s10+$0xFFFFFFC0];
	v28 =	vor.u32 s12, v14  }
0x8e: {  	v29 =	vor.u32 s12, v15;
	v22 =	vld.idx.msk [tilespmem:v22+s1+$0x0], $0xffff  }
0x8f: {  	v27 =	vld [tilespmem:s11+$0xFFFFFFC0];
	v30 =	vor.u32 s12, v16  }
0x90: {  	v47 =	vld [tilespmem:s10+$0xFFFFFFD0];
	v32 =	vor.u32 s12, v18  }
0x91: {  	v49 =	vld [tilespmem:s11+$0xFFFFFFD0];
	v33 =	vor.u32 s12, v19  }
0x92: {  	v23 =	vor.u32 s12, v1;
	v25 =	vshll.u32 v25, $0x7;
	v28 =	vld.idx.msk [tilespmem:v28+s1+$0x0], $0xffff  }
0x93: {  	v29 =	vld.idx.msk [tilespmem:v29+s1+$0x0], $0xffff;
	v22 =	vadd.s32 v25, v22  }
0x94: {  	v40 =	vor.u32 s12, v12;
	v30 =	vld.idx.msk [tilespmem:v30+s1+$0x0], $0xffff  }
0x95: {  	v43 =	vor.u32 s12, v11;
	v32 =	vld.idx.msk [tilespmem:v32+s1+$0x0], $0xffff  }
0x96: {  	v24 =	vor.u32 s12, v2;
	v33 =	vld.idx.msk [tilespmem:v33+s1+$0x0], $0xffff  }
0x97: {  	v26 =	vor.u32 s12, v10;
	v23 =	vld.idx.msk [tilespmem:v23+s1+$0x0], $0xffff  }
0x98: {  	v31 =	vld.idx.msk [tilespmem:v22+s2+$0x0], $0xffff;
	v22 =	vadd.s32 v25, v29  }
0x99: {  	v36 =	vor.u32 s12, v3;
	v40 =	vld.idx.msk [tilespmem:v40+s1+$0x0], $0xffff  }
0x9a: {  	v37 =	vor.u32 s12, v4;
	v43 =	vld.idx.msk [tilespmem:v43+s1+$0x0], $0xffff  }
0x9b: {  	v38 =	vor.u32 s12, v6;
	v24 =	vld.idx.msk [tilespmem:v24+s1+$0x0], $0xffff  }
0x9c: {  	v26 =	vld.idx.msk [tilespmem:v26+s1+$0x0], $0xffff;
	v23 =	vadd.s32 v25, v23  }
0x9d: {  	v34 =	vld.idx.msk [tilespmem:v22+s2+$0x0], $0xffff;
	v22 =	vor.u32 s12, v20  }
0x9e: {  	v39 =	vor.u32 s12, v5;
	v36 =	vld.idx.msk [tilespmem:v36+s1+$0x0], $0xffff  }
0x9f: {  	v42 =	vor.u32 s12, v8;
	v37 =	vld.idx.msk [tilespmem:v37+s1+$0x0], $0xffff  }
0xa0: {  	v27 =	vadd.s32 v27, v25;
	v38 =	vld.idx.msk [tilespmem:v38+s1+$0x0], $0xffff  }
0xa1: {  	v29 =	vld.idx.msk [tilespmem:v23+s2+$0x0], $0xffff;
	v23 =	vadd.s32 v25, v30  }
0xa2: {  	v28 =	vadd.s32 v25, v28;
	v22 =	vld.idx.msk [tilespmem:v22+s1+$0x0], $0xffff  }
0xa3: {  	v39 =	vld.idx.msk [tilespmem:v39+s1+$0x0], $0xffff;
	v24 =	vadd.s32 v25, v24  }
0xa4: {  	v51 =	vor.u32 s12, v17;
	v56 =	vld.idx.msk [tilespmem:v42+s1+$0x0], $0xffff  }
0xa5: {  	v27 =	vld.idx.msk [tilespmem:v27+s2+$0x0], $0xffff;
	v32 =	vadd.s32 v25, v32  }
0xa6: {  	v35 =	vld.idx.msk [tilespmem:v23+s2+$0x0], $0xffff;
	v23 =	vor.u32 s12, v13  }
0xa7: {  	v28 =	vld.idx.msk [tilespmem:v28+s2+$0x0], $0xffff;
	v22 =	vadd.s32 v25, v22  }
0xa8: {  	v33 =	vadd.s32 v25, v33;
	v30 =	vld.idx.msk [tilespmem:v24+s2+$0x0], $0xffff  }
0xa9: {  	v26 =	vadd.s32 v25, v26;
	v24 =	vld.idx.msk [tilespmem:v51+s1+$0x0], $0xffff  }
0xaa: {  	v53 =	vadd.s32 v25, v37;
	v32 =	vld.idx.msk [tilespmem:v32+s2+$0x0], $0xffff  }
0xab: {  	v54 =	vadd.s32 v25, v38;
	v23 =	vld.idx.msk [tilespmem:v23+s1+$0x0], $0xffff  }
0xac: {  	v38 =	vld.idx.msk [tilespmem:v22+s2+$0x0], $0xffff;
	v22 =	vadd.s32 v25, v39  }
0xad: {  	v55 =	vor.u32 s12, v7;
	v33 =	vld.idx.msk [tilespmem:v33+s2+$0x0], $0xffff  }
0xae: {  	v26 =	vld.idx.msk [tilespmem:v26+s2+$0x0], $0xffff;
	v24 =	vadd.s32 v25, v24;
	s12 =	sadd.s32 $0xFFFFFFA0, s9  }
0xaf: {  	v52 =	vadd.s32 v25, v36;
	v36 =	vld.idx.msk [tilespmem:v53+s2+$0x0], $0xffff;
	v57 =	vor.u32 s12, v1  }
0xb0: {  	v37 =	vld.idx.msk [tilespmem:v54+s2+$0x0], $0xffff;
	v48 =	vor.u32 s12, v10  }
0xb1: {  	v23 =	vadd.s32 v25, v23;
	v44 =	vld.idx.msk [tilespmem:v22+s2+$0x0], $0xffff  }
0xb2: {  	v46 =	vor.u32 s12, v2;
	v22 =	vld.idx.msk [tilespmem:v55+s1+$0x0], $0xffff  }
0xb3: {  	v50 =	vor.u32 s12, v14;
	v41 =	vld.idx.msk [tilespmem:v24+s2+$0x0], $0xffff  }
0xb4: {  	v51 =	vor.u32 s12, v15;
	v42 =	vld.idx.msk [tilespmem:v57+s1+$0x0], $0xffff  }
0xb5: {  	v58 =	vld.idx.msk [tilespmem:v48+s1+$0x0], $0xffff;
	v48 =	vor.u32 s12, v13  }
0xb6: {  	v39 =	vld.idx.msk [tilespmem:v23+s2+$0x0], $0xffff;
	v23 =	vadd.s32 v25, v40  }
0xb7: {  	v46 =	vld.idx.msk [tilespmem:v46+s1+$0x0], $0xffff;
	v22 =	vadd.s32 v25, v22  }
0xb8: {  	v28 =	vadd.f32 v28, v31;
	v60 =	vld.idx.msk [tilespmem:v50+s1+$0x0], $0xffff  }
0xb9: {  	v53 =	vor.u32 s12, v3;
	v61 =	vld.idx.msk [tilespmem:v51+s1+$0x0], $0xffff  }
0xba: {  	v28 =	vadd.f32 v32, v28;
	v24 =	vadd.s32 v25, v56;
	v32 =	vld.idx.msk [tilespmem:v48+s1+$0x0], $0xffff  }
0xbb: {  	v30 =	vadd.f32 v35, v30;
	v45 =	vld.idx.msk [tilespmem:v23+s2+$0x0], $0xffff;
	v23 =	vor.u32 s12, v63  }
0xbc: {  	v25 =	vadd.s32 v25, v43;
	v43 =	vshll.u32 v47, $0x7;
	v51 =	vld.idx.msk [tilespmem:v22+s2+$0x0], $0xffff;
	v22 =	vsub.f32 $0.0e+00, v27  }
0xbd: {  	v40 =	vld.idx.msk [tilespmem:v52+s2+$0x0], $0xffff;
	v59 =	vadd.s32 v49, v43  }
0xbe: {  	v30 =	vadd.f32 v38, v30;
	v38 =	vld.idx.msk [tilespmem:v53+s1+$0x0], $0xffff;
	v62 =	vadd.s32 v43, v42;
	v22 =	vmul.f32 $1.442695020e+00, v22  }
0xbf: {  	v42 =	vld.idx.msk [tilespmem:v24+s2+$0x0], $0xffff;
	v55 =	vadd.s32 v43, v58  }
0xc0: {  	v56 =	vadd.s32 v43, v60;
	v23 =	vld.idx.msk [tilespmem:v23+s1+$0x0], $0xffff;
	(erf) = vpow2.f32 v22  }
0xc1: {  	v57 =	vadd.s32 v43, v61;
	v52 =	vld.idx.msk [tilespmem:v25+s2+$0x0], $0xffff  }
0xc2: {  	v58 =	vor.u32 s12, v16;
	v47 =	vld.idx.msk [tilespmem:v59+s2+$0x0], $0xffff  }
0xc3: {  	v60 =	vor.u32 s12, v18;
	v24 =	vld.idx.msk [tilespmem:v62+s2+$0x0], $0xffff  }
0xc4: {  	v29 =	vadd.f32 v34, v29;
	v61 =	vor.u32 s12, v19;
	v25 =	vld.idx.msk [tilespmem:v55+s2+$0x0], $0xffff  }
0xc5: {  	v26 =	vadd.f32 v41, v26;
	v59 =	vor.u32 s12, v17;
	v34 =	vld.idx.msk [tilespmem:v56+s2+$0x0], $0xffff  }
0xc6: {  	v29 =	vadd.f32 v33, v29;
	v35 =	vld.idx.msk [tilespmem:v57+s2+$0x0], $0xffff;
	v62 =	vor.u32 s12, v20  }
0xc7: {  	v26 =	vadd.f32 v39, v26;
	v27 =	vld.idx.msk [tilespmem:v58+s1+$0x0], $0xffff;
	v55 =	vor.u32 s12, v4  }
0xc8: {  	v36 =	vadd.f32 v36, v29;
	v30 =	vadd.f32 v37, v30;
	v54 =	vld.idx.msk [tilespmem:v60+s1+$0x0], $0xffff;
	v57 =	vor.u32 s12, v6  }
0xc9: {  	v28 =	vadd.f32 v40, v28;
	v26 =	vadd.f32 v44, v26;
	v31 =	vld.idx.msk [tilespmem:v61+s1+$0x0], $0xffff;
	v58 =	vor.u32 s12, v5;
	v56 =	vpop (erf)  }
0xca: {  	v46 =	vadd.s32 v43, v46;
	v48 =	vadd.s32 v43, v32;
	v49 =	vld.idx.msk [tilespmem:v59+s1+$0x0], $0xffff;
	v29 =	vadd.f32 $1.000000000e+00, v56  }
0xcb: {  	v28 =	vadd.f32 v45, v28;
	v30 =	vadd.f32 v42, v30;
	v23 =	vadd.s32 v43, v23;
	v41 =	vld.idx.msk [tilespmem:v62+s1+$0x0], $0xffff  }
0xcc: {  	v36 =	vadd.f32 v51, v36;
	v26 =	vadd.f32 v52, v26;
	v40 =	vld.idx.msk [tilespmem:v55+s1+$0x0], $0xffff;
	v59 =	vand.u32 $0x7FFFFF, v29  }
0xcd: {  	v27 =	vadd.s32 v43, v27;
	v39 =	vadd.s32 v43, v54;
	v37 =	vld.idx.msk [tilespmem:v57+s1+$0x0], $0xffff;
	v60 =	vor.u32 $0x3F800000, v59  }
0xce: {  	v62 =	vld.idx.msk [tilespmem:v58+s1+$0x0], $0xffff;
	v28 =	vadd.f32 v36, v28;
	v26 =	vadd.f32 v26, v30;
	v61 =	vmul.f32 $5.000000000e-01, v60  }
0xcf: {  	v31 =	vadd.s32 v43, v31;
	v30 =	vld.idx.msk [tilespmem:v48+s2+$0x0], $0xffff;
	vm0 =	vgt.f32 v60, $1.414213540e+00  }
0xd0: {  	v50 =	vadd.s32 v43, v38;
	v22 =	vld.idx.msk [tilespmem:v23+s2+$0x0], $0xffff;
	v26 =	vadd.f32 v26, v28;
	v28 =	vsel vm0, v61, v60  }
0xd1: {  	v54 =	vor.u32 s12, v12;
	v23 =	vld.idx.msk [tilespmem:v46+s2+$0x0], $0xffff;
	v33 =	vadd.s32 v43, v49;
	v49 =	vadd.f32 $1.000000000e+00, v28  }
0xd2: {  	v55 =	vor.u32 s12, v7;
	v27 =	vld.idx.msk [tilespmem:v27+s2+$0x0], $0xffff;
	v26 =	vmul.f32 $1.442695020e+00, v26  }
0xd3: {  	v57 =	vor.u32 s12, v11;
	v38 =	vld.idx.msk [tilespmem:v39+s2+$0x0], $0xffff;
	(erf) = vrcp.f32 v49  }
0xd4: {  	v32 =	vld.idx.msk [tilespmem:v31+s2+$0x0], $0xffff;
	(erf) = vpow2.f32 v26  }
0xd5: {  	v41 =	vadd.s32 v43, v41;
	v51 =	vadd.s32 v43, v40;
	v40 =	vld.idx.msk [tilespmem:v50+s2+$0x0], $0xffff  }
0xd6: {  	v58 =	vld.idx.msk [tilespmem:v54+s1+$0x0], $0xffff  }
0xd7: {  	v52 =	vadd.s32 v43, v37;
	v39 =	vld.idx.msk [tilespmem:v55+s1+$0x0], $0xffff  }
0xd8: {  	v53 =	vadd.s32 v43, v62;
	v50 =	vld.idx.msk [tilespmem:v57+s1+$0x0], $0xffff  }
0xd9: {  	v44 =	vld.idx.msk [tilespmem:v33+s2+$0x0], $0xffff  }
0xda: {  	v56 =	vor.u32 s12, v8;
	v37 =	vld.idx.msk [tilespmem:v41+s2+$0x0], $0xffff  }
0xdb: {  	s12 =	sadd.s32 $0xFFFFFFB0, s9;
	v41 =	vld.idx.msk [tilespmem:v51+s2+$0x0], $0xffff  }
0xdc: {  	v46 =	vor.u32 s12, v63;
	v42 =	vld.idx.msk [tilespmem:v52+s2+$0x0], $0xffff;
	v33 =	vpop (erf)  }
0xdd: {  	v48 =	vor.u32 s12, v1;
	v45 =	vld.idx.msk [tilespmem:v53+s2+$0x0], $0xffff;
	v59 =	vpop (erf)  }
0xde: {  	v53 =	vld [tilespmem:s11+$0xFFFFFFE0];
	v39 =	vadd.s32 v43, v39;
	v31 =	vadd.f32 $1.000000000e+00, v59  }
0xdf: {  	v47 =	vsub.f32 $0.0e+00, v47;
	v24 =	vadd.f32 v35, v24;
	v36 =	vld.idx.msk [tilespmem:v56+s1+$0x0], $0xffff;
	v60 =	vor.u32 s12, v2  }
0xe0: {  	v62 =	vor.u32 s12, v10;
	v23 =	vadd.f32 v27, v23;
	v61 =	vld [tilespmem:s10+$0xFFFFFFE0];
	v55 =	vand.u32 $0x7FFFFF, v31  }
0xe1: {  	v54 =	vor.u32 s12, v14;
	v24 =	vadd.f32 v32, v24;
	v46 =	vld.idx.msk [tilespmem:v46+s1+$0x0], $0xffff;
	v55 =	vor.u32 $0x3F800000, v55  }
0xe2: {  	v56 =	vadd.s32 v43, v58;
	v48 =	vld.idx.msk [tilespmem:v48+s1+$0x0], $0xffff;
	v23 =	vadd.f32 v37, v23;
	v57 =	vmul.f32 $5.000000000e-01, v55  }
0xe3: {  	v39 =	vld.idx.msk [tilespmem:v39+s2+$0x0], $0xffff;
	v37 =	vor.u32 s12, v20;
	v24 =	vadd.f32 v41, v24;
	vm1 =	vgt.f32 v55, $1.414213540e+00  }
0xe4: {  	v41 =	vor.u32 s12, v13;
	v58 =	vadd.s32 v43, v36;
	v51 =	vld.idx.msk [tilespmem:v60+s1+$0x0], $0xffff;
	v36 =	vsel vm1, v57, v55  }
0xe5: {  	v26 =	vshll.u32 v61, $0x7;
	v60 =	vld.idx.msk [tilespmem:v62+s1+$0x0], $0xffff;
	v57 =	vadd.f32 $1.000000000e+00, v36  }
0xe6: {  	v47 =	vmul.f32 $1.442695020e+00, v47;
	v62 =	vld.idx.msk [tilespmem:v54+s1+$0x0], $0xffff;
	v61 =	vadd.s32 v53, v26  }
0xe7: {  	v43 =	vadd.s32 v43, v50;
	v54 =	vld.idx.msk [tilespmem:v56+s2+$0x0], $0xffff;
	(erf) = vrcp.f32 v57  }
0xe8: {  	v46 =	vadd.s32 v26, v46;
	v37 =	vld.idx.msk [tilespmem:v37+s1+$0x0], $0xffff;
	(erf) = vpow2.f32 v47  }
0xe9: {  	v48 =	vadd.s32 v26, v48;
	v41 =	vld.idx.msk [tilespmem:v41+s1+$0x0], $0xffff  }
0xea: {  	v53 =	vld.idx.msk [tilespmem:v58+s2+$0x0], $0xffff;
	v59 =	vadd.s32 v26, v60  }
0xeb: {  	v49 =	vld.idx.msk [tilespmem:v61+s2+$0x0], $0xffff;
	v61 =	vor.u32 s12, v15  }
0xec: {  	v22 =	vadd.f32 v34, v22;
	v43 =	vld.idx.msk [tilespmem:v43+s2+$0x0], $0xffff;
	v58 =	vor.u32 s12, v18  }
0xed: {  	v46 =	vld.idx.msk [tilespmem:v46+s2+$0x0], $0xffff;
	v60 =	vadd.s32 v26, v62  }
0xee: {  	v22 =	vadd.f32 v38, v22;
	v25 =	vadd.f32 v44, v25;
	v48 =	vld.idx.msk [tilespmem:v48+s2+$0x0], $0xffff;
	v62 =	vor.u32 s12, v16  }
0xef: {  	v44 =	vld.idx.msk [tilespmem:v59+s2+$0x0], $0xffff;
	v59 =	vor.u32 s12, v19  }
0xf0: {  	v22 =	vadd.f32 v40, v22;
	v25 =	vadd.f32 v30, v25;
	v51 =	vadd.s32 v26, v51;
	v30 =	vld.idx.msk [tilespmem:v61+s1+$0x0], $0xffff;
	v35 =	vpop (erf)  }
0xf1: {  	v23 =	vadd.f32 v42, v23;
	v24 =	vadd.f32 v39, v24;
	v37 =	vadd.s32 v26, v37;
	v27 =	vld.idx.msk [tilespmem:v58+s1+$0x0], $0xffff;
	v61 =	vpop (erf)  }
0xf2: {  	v41 =	vadd.s32 v26, v41;
	v32 =	vld.idx.msk [tilespmem:v60+s2+$0x0], $0xffff;
	v60 =	vadd.f32 v45, v25;
	v25 =	vadd.f32 $1.000000000e+00, v61  }
0xf3: {  	v22 =	vadd.f32 v54, v22;
	v23 =	vadd.f32 v53, v23;
	v40 =	vld.idx.msk [tilespmem:v62+s1+$0x0], $0xffff;
	v57 =	vor.u32 s12, v17  }
0xf4: {  	v55 =	vor.u32 s12, v4;
	v58 =	vadd.f32 v43, v60;
	v56 =	vld.idx.msk [tilespmem:v59+s1+$0x0], $0xffff;
	v59 =	vand.u32 $0x7FFFFF, v25  }
0xf5: {  	v22 =	vadd.f32 v24, v22;
	v34 =	vld.idx.msk [tilespmem:v51+s2+$0x0], $0xffff;
	v30 =	vadd.s32 v26, v30;
	v60 =	vor.u32 $0x3F800000, v59  }
0xf6: {  	v37 =	vld.idx.msk [tilespmem:v37+s2+$0x0], $0xffff;
	v23 =	vadd.f32 v58, v23;
	v47 =	vor.u32 s12, v3;
	v61 =	vmul.f32 $5.000000000e-01, v60  }
0xf7: {  	v45 =	vld.idx.msk [tilespmem:v41+s2+$0x0], $0xffff;
	v58 =	vor.u32 s12, v12;
	vm2 =	vgt.f32 v60, $1.414213540e+00  }
0xf8: {  	v22 =	vadd.f32 v23, v22;
	v62 =	vld.idx.msk [tilespmem:v57+s1+$0x0], $0xffff;
	v38 =	vsel vm2, v61, v60  }
0xf9: {  	v40 =	vadd.s32 v26, v40;
	v53 =	vld.idx.msk [tilespmem:v55+s1+$0x0], $0xffff;
	v55 =	vadd.f32 $1.000000000e+00, v38  }
0xfa: {  	v30 =	vld.idx.msk [tilespmem:v30+s2+$0x0], $0xffff;
	v22 =	vmul.f32 $1.442695020e+00, v22;
	v57 =	vor.u32 s12, v6  }
0xfb: {  	v27 =	vadd.s32 v26, v27;
	v52 =	vld.idx.msk [tilespmem:v47+s1+$0x0], $0xffff;
	(erf) = vrcp.f32 v55  }
0xfc: {  	v41 =	vld.idx.msk [tilespmem:v58+s1+$0x0], $0xffff;
	v23 =	vadd.s32 v26, v56;
	(erf) = vpow2.f32 v22  }
0xfd: {  	v58 =	vld [tilespmem:s10+$0xFFFFFFF0];
	v62 =	vadd.s32 v26, v62  }
0xfe: {  	v40 =	vld.idx.msk [tilespmem:v40+s2+$0x0], $0xffff;
	v22 =	vadd.s32 v26, v53  }
0xff: {  	v54 =	vld.idx.msk [tilespmem:v57+s1+$0x0], $0xffff;
	v57 =	vor.u32 s12, v5  }
0x100: {  	v47 =	vld.idx.msk [tilespmem:v27+s2+$0x0], $0xffff;
	v56 =	vadd.s32 v26, v52  }
0x101: {  	v23 =	vld.idx.msk [tilespmem:v23+s2+$0x0], $0xffff;
	v59 =	vor.u32 s12, v7  }
0x102: {  	v39 =	vld.idx.msk [tilespmem:v62+s2+$0x0], $0xffff;
	v61 =	vor.u32 s12, v11  }
0x103: {  	v51 =	vld.idx.msk [tilespmem:v22+s2+$0x0], $0xffff;
	v22 =	vor.u32 s12, v8  }
0x104: {  	v24 =	vadd.s32 v26, v54;
	v62 =	vld.idx.msk [tilespmem:v57+s1+$0x0], $0xffff;
	v43 =	vpop (erf)  }
0x105: {  	v42 =	vld.idx.msk [tilespmem:v56+s2+$0x0], $0xffff;
	s12 =	sadd.s32 $0xFFFFFFC0, s9;
	v60 =	vpop (erf)  }
0x106: {  	v50 =	vld.idx.msk [tilespmem:v59+s1+$0x0], $0xffff;
	v54 =	vor.u32 s12, v63;
	v27 =	vadd.f32 $1.000000000e+00, v60  }
0x107: {  	v52 =	vld.idx.msk [tilespmem:v61+s1+$0x0], $0xffff;
	v55 =	vor.u32 s12, v1  }
0x108: {  	v56 =	vor.u32 s12, v2;
	v22 =	vld.idx.msk [tilespmem:v22+s1+$0x0], $0xffff;
	v61 =	vand.u32 $0x7FFFFF, v27  }
0x109: {  	v24 =	vld.idx.msk [tilespmem:v24+s2+$0x0], $0xffff;
	v53 =	vadd.s32 v26, v62;
	v57 =	vor.u32 $0x3F800000, v61  }
0x10a: {  	v59 =	vor.u32 s12, v10;
	v60 =	vld [tilespmem:s11+$0xFFFFFFF0];
	v61 =	vmul.f32 $5.000000000e-01, v57  }
0x10b: {  	v50 =	vadd.s32 v26, v50;
	v54 =	vld.idx.msk [tilespmem:v54+s1+$0x0], $0xffff;
	vm4 =	vgt.f32 v57, $1.414213540e+00  }
0x10c: {  	v49 =	vsub.f32 $0.0e+00, v49;
	v62 =	vadd.s32 v26, v41;
	v55 =	vld.idx.msk [tilespmem:v55+s1+$0x0], $0xffff;
	v41 =	vsel vm4, v61, v57  }
0x10d: {  	v56 =	vld.idx.msk [tilespmem:v56+s1+$0x0], $0xffff;
	v57 =	vadd.s32 v26, v22;
	v61 =	vadd.f32 $1.000000000e+00, v41  }
0x10e: {  	v49 =	vmul.f32 $1.442695020e+00, v49;
	v53 =	vld.idx.msk [tilespmem:v53+s2+$0x0], $0xffff;
	v26 =	vadd.s32 v26, v52;
	v22 =	vshll.u32 v58, $0x7  }
0x10f: {  	v52 =	vld.idx.msk [tilespmem:v59+s1+$0x0], $0xffff;
	v58 =	vadd.s32 v60, v22;
	(erf) = vrcp.f32 v61  }
0x110: {  	v50 =	vld.idx.msk [tilespmem:v50+s2+$0x0], $0xffff;
	v54 =	vadd.s32 v22, v54;
	(erf) = vpow2.f32 v49  }
0x111: {  	v59 =	vld.idx.msk [tilespmem:v62+s2+$0x0], $0xffff;
	v62 =	vadd.s32 v22, v55  }
0x112: {  	v56 =	vadd.s32 v22, v56;
	v55 =	vld.idx.msk [tilespmem:v57+s2+$0x0], $0xffff  }
0x113: {  	v30 =	vadd.f32 v30, v48;
	v34 =	vadd.f32 v40, v34;
	v60 =	vor.u32 s12, v15;
	v57 =	vld.idx.msk [tilespmem:v26+s2+$0x0], $0xffff  }
0x114: {  	v39 =	vadd.f32 v39, v44;
	v26 =	vadd.s32 v22, v52;
	v52 =	vld.idx.msk [tilespmem:v58+s2+$0x0], $0xffff;
	v58 =	vor.u32 s12, v14  }
0x115: {  	v32 =	vadd.f32 v32, v46;
	v23 =	vadd.f32 v23, v30;
	v46 =	vld.idx.msk [tilespmem:v54+s2+$0x0], $0xffff  }
0x116: {  	v34 =	vadd.f32 v37, v34;
	v61 =	vor.u32 s12, v16;
	v44 =	vld.idx.msk [tilespmem:v62+s2+$0x0], $0xffff  }
0x117: {  	v32 =	vadd.f32 v47, v32;
	v47 =	vor.u32 s12, v17;
	v23 =	vadd.f32 v51, v23;
	v30 =	vld.idx.msk [tilespmem:v56+s2+$0x0], $0xffff  }
0x118: {  	v24 =	vadd.f32 v24, v34;
	v49 =	vor.u32 s12, v18;
	v62 =	vadd.f32 v45, v39;
	v48 =	vld.idx.msk [tilespmem:v60+s1+$0x0], $0xffff;
	v39 =	vpop (erf)  }
0x119: {  	v23 =	vadd.f32 v50, v23;
	v54 =	vadd.f32 v42, v32;
	v42 =	vor.u32 s12, v19;
	v32 =	vld.idx.msk [tilespmem:v58+s1+$0x0], $0xffff;
	v58 =	vpop (erf)  }
0x11a: {  	v51 =	vor.u32 s12, v20;
	v56 =	vadd.f32 v53, v62;
	v45 =	vld.idx.msk [tilespmem:v26+s2+$0x0], $0xffff;
	v26 =	vadd.f32 $1.000000000e+00, v58  }
0x11b: {  	v60 =	vadd.f32 v59, v54;
	v37 =	vld.idx.msk [tilespmem:v61+s1+$0x0], $0xffff;
	v61 =	vor.u32 s12, v13;
	v62 =	vor.u32 s12, v3  }
0x11c: {  	v47 =	vld.idx.msk [tilespmem:v47+s1+$0x0], $0xffff;
	v24 =	vadd.f32 v55, v24;
	v34 =	vadd.f32 v57, v56;
	v57 =	vand.u32 $0x7FFFFF, v26  }
0x11d: {  	v49 =	vld.idx.msk [tilespmem:v49+s1+$0x0], $0xffff;
	v58 =	vor.u32 s12, v4;
	v59 =	vor.u32 $0x3F800000, v57  }
0x11e: {  	v23 =	vadd.f32 v23, v60;
	v42 =	vld.idx.msk [tilespmem:v42+s1+$0x0], $0xffff;
	v24 =	vadd.f32 v34, v24;
	v60 =	vmul.f32 $5.000000000e-01, v59  }
0x11f: {  	v51 =	vld.idx.msk [tilespmem:v51+s1+$0x0], $0xffff;
	vm3 =	vgt.f32 v59, $1.414213540e+00  }
0x120: {  	v53 =	vor.u32 s12, v5;
	v40 =	vld.idx.msk [tilespmem:v61+s1+$0x0], $0xffff;
	v23 =	vadd.f32 v24, v23;
	v34 =	vsel vm3, v60, v59  }
0x121: {  	v61 =	vadd.s32 v22, v47;
	v62 =	vld.idx.msk [tilespmem:v62+s1+$0x0], $0xffff;
	v56 =	vadd.f32 $1.000000000e+00, v34  }
0x122: {  	v49 =	vadd.s32 v22, v49;
	v23 =	vmul.f32 $1.442695020e+00, v23;
	v57 =	vld.idx.msk [tilespmem:v58+s1+$0x0], $0xffff  }
0x123: {  	v42 =	vadd.s32 v22, v42;
	(erf) = vrcp.f32 v56  }
0x124: {  	v37 =	vadd.s32 v22, v37;
	(erf) = vpow2.f32 v23  }
0x125: {  	v53 =	vld.idx.msk [tilespmem:v53+s1+$0x0], $0xffff;
	v58 =	vadd.s32 v22, v51  }
0x126: {  	v51 =	vld.idx.msk [tilespmem:v61+s2+$0x0], $0xffff;
	v60 =	vadd.s32 v22, v62  }
0x127: {  	v47 =	vld.idx.msk [tilespmem:v49+s2+$0x0], $0xffff;
	v59 =	vadd.s32 v22, v40;
	v40 =	vadd.s32 v22, v57  }
0x128: {  	v61 =	vor.u32 s12, v6;
	v49 =	vld.idx.msk [tilespmem:v42+s2+$0x0], $0xffff  }
0x129: {  	v23 =	vld.idx.msk [tilespmem:v37+s2+$0x0], $0xffff  }
0x12a: {  	v62 =	vor.u32 s12, v12;
	v50 =	vld.idx.msk [tilespmem:v58+s2+$0x0], $0xffff  }
0x12b: {  	v56 =	vld.idx.msk [tilespmem:v60+s2+$0x0], $0xffff;
	v60 =	vor.u32 s12, v7  }
0x12c: {  	v58 =	vld.idx.msk [tilespmem:v40+s2+$0x0], $0xffff;
	v40 =	vor.u32 s12, v8;
	v37 =	vpop (erf)  }
0x12d: {  	v42 =	vld.idx.msk [tilespmem:v61+s1+$0x0], $0xffff;
	v61 =	vpop (erf)  }
0x12e: {  	v54 =	vld.idx.msk [tilespmem:v59+s2+$0x0], $0xffff;
	v59 =	vor.u32 s12, v11;
	v24 =	vadd.f32 $1.000000000e+00, v61  }
0x12f: {  	v48 =	vadd.s32 v22, v48;
	v55 =	vld.idx.msk [tilespmem:v62+s1+$0x0], $0xffff;
	s12 =	sadd.s32 $0xFFFFFFD0, s9  }
0x130: {  	v57 =	vld.idx.msk [tilespmem:v60+s1+$0x0], $0xffff;
	v60 =	vor.u32 s12, v63;
	v61 =	vand.u32 $0x7FFFFF, v24  }
0x131: {  	v32 =	vadd.s32 v22, v32;
	v62 =	vld.idx.msk [tilespmem:v40+s1+$0x0], $0xffff;
	v40 =	vor.u32 $0x3F800000, v61  }
0x132: {  	v21 =	vld [tilespmem:s10+$0x0];
	v10 =	vmov v0;
	v63 =	vor.u32 s12, v1;
	v0 =	vmul.f32 $5.000000000e-01, v40  }
0x133: {  	v59 =	vld.idx.msk [tilespmem:v59+s1+$0x0], $0xffff;
	vm7 =	vgt.f32 v40, $1.414213540e+00  }
0x134: {  	v52 =	vsub.f32 $0.0e+00, v52;
	v48 =	vld.idx.msk [tilespmem:v48+s2+$0x0], $0xffff;
	v61 =	vor.u32 s12, v2;
	v40 =	vsel vm7, v0, v40  }
0x135: {  	v42 =	vadd.s32 v22, v42;
	v0 =	vadd.s32 v22, v55;
	v55 =	vld.idx.msk [tilespmem:v60+s1+$0x0], $0xffff;
	v60 =	vadd.f32 $1.000000000e+00, v40  }
0x136: {  	v52 =	vmul.f32 $1.442695020e+00, v52;
	v53 =	vadd.s32 v22, v53;
	v32 =	vld.idx.msk [tilespmem:v32+s2+$0x0], $0xffff  }
0x137: {  	v57 =	vadd.s32 v22, v57;
	v63 =	vld.idx.msk [tilespmem:v63+s1+$0x0], $0xffff;
	(erf) = vrcp.f32 v60  }
0x138: {  	v2 =	vld [tilespmem:$0x1FFF0];
	v62 =	vadd.s32 v22, v62;
	v22 =	vadd.s32 v22, v59;
	(erf) = vpow2.f32 v52  }
0x139: {  	v61 =	vld.idx.msk [tilespmem:v61+s1+$0x0], $0xffff  }
0x13a: {  	v60 =	vld.idx.msk [tilespmem:v42+s2+$0x0], $0xffff  }
0x13b: {  	v44 =	vadd.f32 v48, v44;
	v42 =	vshll.u32 v21, $0x7;
	v21 =	vld.idx.msk [tilespmem:v53+s2+$0x0], $0xffff  }
0x13c: {  	v32 =	vadd.f32 v32, v46;
	v53 =	vld.idx.msk [tilespmem:v57+s2+$0x0], $0xffff;
	v52 =	vadd.s32 v42, v55;
	v55 =	vadd.s32 v42, v63  }
0x13d: {  	v23 =	vadd.f32 v23, v30;
	v46 =	vld.idx.msk [tilespmem:v22+s2+$0x0], $0xffff;
	v22 =	vor.u32 s12, v2;
	v63 =	vadd.f32 v49, v44  }
0x13e: {  	v57 =	vld.idx.msk [tilespmem:v62+s2+$0x0], $0xffff;
	v62 =	vadd.f32 v51, v45;
	v45 =	vor.u32 s12, v14  }
0x13f: {  	v1 =	vld [tilespmem:s11+$0x0];
	v23 =	vadd.f32 v50, v23;
	v59 =	vadd.s32 v42, v61;
	v61 =	vor.u32 s12, v15  }
0x140: {  	v32 =	vadd.f32 v47, v32;
	v0 =	vld.idx.msk [tilespmem:v0+s2+$0x0], $0xffff;
	v30 =	vadd.f32 v54, v62;
	v62 =	vor.u32 s12, v16;
	v44 =	vpop (erf)  }
0x141: {  	v47 =	vadd.f32 v58, v63;
	v23 =	vadd.f32 v60, v23;
	v50 =	vld.idx.msk [tilespmem:v55+s2+$0x0], $0xffff;
	v63 =	vpop (erf)  }
0x142: {  	v21 =	vadd.f32 v21, v30;
	v55 =	vld.idx.msk [tilespmem:v22+s1+$0x0], $0xffff;
	v22 =	vadd.f32 $1.000000000e+00, v63  }
0x143: {  	v32 =	vadd.f32 v56, v32;
	v56 =	vor.u32 s12, v18;
	v30 =	vld.idx.msk [tilespmem:v45+s1+$0x0], $0xffff;
	v60 =	vadd.f32 v53, v47  }
0x144: {  	v23 =	vadd.f32 v57, v23;
	v21 =	vadd.f32 v46, v21;
	v47 =	vld.idx.msk [tilespmem:v61+s1+$0x0], $0xffff;
	v61 =	vand.u32 $0x7FFFFF, v22  }
0x145: {  	v51 =	vld.idx.msk [tilespmem:v62+s1+$0x0], $0xffff;
	v62 =	vor.u32 $0x3F800000, v61  }
0x146: {  	v0 =	vadd.f32 v0, v32;
	v21 =	vadd.f32 v21, v23;
	v23 =	vmul.f32 $5.000000000e-01, v62  }
0x147: {  	vm8 =	vgt.f32 v62, $1.414213540e+00  }
0x148: {  	v56 =	vld.idx.msk [tilespmem:v56+s1+$0x0], $0xffff;
	v0 =	vadd.f32 v60, v0;
	v60 =	vadd.s32 v42, v30;
	v30 =	vsel vm8, v23, v62  }
0x149: {  	v45 =	vadd.f32 $1.000000000e+00, v30  }
0x14a: {  	v1 =	vadd.s32 v1, v42  }
0x14b: {  	(erf) = vrcp.f32 v45  }
0x14c: {  	v54 =	vor.u32 s12, v17  }
0x14d: {  	v58 =	vadd.s32 v42, v56  }
0x14e: {  	v9 =	vld [tilespmem:$0x1FF80];
	v32 =	vor.u32 s12, v19  }
0x14f: {  	v49 =	vor.u32 s12, v20;
	v1 =	vld.idx.msk [tilespmem:v1+s2+$0x0], $0xffff  }
0x150: {  	v48 =	vld.idx.msk [tilespmem:v52+s2+$0x0], $0xffff  }
0x151: {  	v46 =	vld.idx.msk [tilespmem:v54+s1+$0x0], $0xffff;
	v0 =	vadd.f32 v21, v0  }
0x152: {  	v56 =	vor.u32 s12, v6;
	v54 =	vld.idx.msk [tilespmem:v58+s2+$0x0], $0xffff  }
0x153: {  	v58 =	vor.u32 s12, v5;
	v32 =	vld.idx.msk [tilespmem:v32+s1+$0x0], $0xffff;
	v0 =	vmul.f32 $1.442695020e+00, v0  }
0x154: {  	v63 =	vor.u32 s12, v3;
	v23 =	vld.idx.msk [tilespmem:v49+s1+$0x0], $0xffff;
	v2 =	vpop (erf)  }
0x155: {  	v61 =	vadd.s32 v42, v51;
	(erf) = vpow2.f32 v0;
	[tilespmem:$0x1FF60] =	vst v2;
	v2 =	vld [tilespmem:$0x1FFE0]  }
0x156: {  	v53 =	vor.u32 s12, v13;
	v52 =	vld.idx.msk [tilespmem:v59+s2+$0x0], $0xffff  }
0x157: {  	v56 =	vld.idx.msk [tilespmem:v56+s1+$0x0], $0xffff;
	v55 =	vadd.s32 v42, v55  }
0x158: {  	v58 =	vld.idx.msk [tilespmem:v58+s1+$0x0], $0xffff;
	v32 =	vadd.s32 v42, v32  }
0x159: {  	v63 =	vld.idx.msk [tilespmem:v63+s1+$0x0], $0xffff;
	v23 =	vadd.s32 v42, v23  }
0x15a: {  	v21 =	vadd.s32 v42, v47;
	v47 =	vld.idx.msk [tilespmem:v61+s2+$0x0], $0xffff;
	v61 =	vor.u32 s12, v2  }
0x15b: {  	v62 =	vld.idx.msk [tilespmem:v53+s1+$0x0], $0xffff  }
0x15c: {  	v59 =	vor.u32 s12, v12;
	v53 =	vld.idx.msk [tilespmem:v55+s2+$0x0], $0xffff  }
0x15d: {  	v45 =	vor.u32 s12, v4;
	v55 =	vld.idx.msk [tilespmem:v32+s2+$0x0], $0xffff  }
0x15e: {  	v46 =	vadd.s32 v42, v46;
	v57 =	vld.idx.msk [tilespmem:v23+s2+$0x0], $0xffff;
	v23 =	vpop (erf)  }
0x15f: {  	v32 =	vadd.f32 $1.000000000e+00, v23;
	v61 =	vld.idx.msk [tilespmem:v61+s1+$0x0], $0xffff  }
0x160: {  	v0 =	vld.idx.msk [tilespmem:v60+s2+$0x0], $0xffff;
	v60 =	vor.u32 s12, v7  }
0x161: {  	v59 =	vld.idx.msk [tilespmem:v59+s1+$0x0], $0xffff;
	v51 =	vadd.s32 v42, v63;
	v63 =	vand.u32 $0x7FFFFF, v32  }
0x162: {  	v28 =	vadd.f32 $-1.000000000e+00, v28;
	v45 =	vld.idx.msk [tilespmem:v45+s1+$0x0], $0xffff;
	v63 =	vor.u32 $0x3F800000, v63  }
0x163: {  	v46 =	vld.idx.msk [tilespmem:v46+s2+$0x0], $0xffff;
	v49 =	vadd.s32 v42, v62;
	v62 =	vor.u32 s12, v11;
	v3 =	vmul.f32 $5.000000000e-01, v63  }
0x164: {  	v21 =	vld.idx.msk [tilespmem:v21+s2+$0x0], $0xffff;
	vm6 =	vgt.f32 v63, $1.414213540e+00;
	v61 =	vadd.s32 v42, v61  }
0x165: {  	v28 =	vmul.f32 v33, v28;
	v1 =	vsub.f32 $0.0e+00, v1;
	v60 =	vld.idx.msk [tilespmem:v60+s1+$0x0], $0xffff;
	v33 =	vsel vm6, v3, v63  }
0x166: {  	v4 =	vld [tilespmem:$0x1FF70];
	v5 =	vadd.f32 $1.000000000e+00, v33  }
0x167: {  	v1 =	vmul.f32 $1.442695020e+00, v1;
	v51 =	vld.idx.msk [tilespmem:v51+s2+$0x0], $0xffff;
	v45 =	vadd.s32 v42, v45  }
0x168: {  	v58 =	vadd.s32 v42, v58;
	v59 =	vadd.s32 v42, v59;
	v62 =	vld.idx.msk [tilespmem:v62+s1+$0x0], $0xffff;
	(erf) = vrcp.f32 v5  }
0x169: {  	v0 =	vadd.f32 v0, v48;
	s12 =	sadd.s32 $0xFFFFFFE0, s9;
	v63 =	vmul.f32 v28, v28;
	(erf) = vpow2.f32 v1;
	v48 =	vld.idx.msk [tilespmem:v61+s2+$0x0], $0xffff  }
0x16a: {  	v5 =	vadd.s32 v42, v60;
	v61 =	vor.u32 s12, v9;
	v9 =	vld [tilespmem:$0x1FFF0]  }
0x16b: {  	v8 =	vlaneseq.u32;
	v3 =	vadd.s32 v42, v56;
	v56 =	vld [tilespmem:s10+$0x10];
	v7 =	vmul.f32 $1.111111120e-01, v63  }
0x16c: {  	v2 =	vor.u32 s12, v8;
	v60 =	vld.idx.msk [tilespmem:v45+s2+$0x0], $0xffff  }
0x16d: {  	v4 =	vor.u32 s12, v4;
	v1 =	vadd.f32 $1.428571490e-01, v7;
	v7 =	vadd.s32 v42, v62;
	v42 =	vld.idx.msk [tilespmem:v58+s2+$0x0], $0xffff  }
0x16e: {  	v21 =	vadd.f32 v21, v50;
	v58 =	vld.idx.msk [tilespmem:v59+s2+$0x0], $0xffff;
	v59 =	vadd.f32 v47, v52  }
0x16f: {  	v5 =	vld.idx.msk [tilespmem:v5+s2+$0x0], $0xffff;
	v62 =	vor.u32 s12, v9  }
0x170: {  	v49 =	vld.idx.msk [tilespmem:v49+s2+$0x0], $0xffff;
	v21 =	vadd.f32 v55, v21;
	v47 =	vadd.f32 v57, v59;
	v57 =	vor.u32 s12, v14  }
0x171: {  	v2 =	vld.idx.msk [tilespmem:v2+s1+$0x0], $0xffff;
	v45 =	vshll.u32 v56, $0x7;
	v56 =	vadd.f32 $-1.000000000e+00, v36;
	v36 =	vpop (erf)  }
0x172: {  	v4 =	vld.idx.msk [tilespmem:v4+s1+$0x0], $0xffff;
	v21 =	vadd.f32 v60, v21;
	v59 =	vpop (erf)  }
0x173: {  	v46 =	vadd.f32 v46, v53;
	v7 =	vld.idx.msk [tilespmem:v7+s2+$0x0], $0xffff;
	v23 =	vadd.f32 $1.000000000e+00, v59;
	v59 =	vor.u32 s12, v13  }
0x174: {  	v0 =	vadd.f32 v54, v0;
	v5 =	vadd.f32 v5, v21;
	v21 =	vld.idx.msk [tilespmem:v62+s1+$0x0], $0xffff  }
0x175: {  	v49 =	vadd.f32 v49, v46;
	v62 =	vld.idx.msk [tilespmem:v57+s1+$0x0], $0xffff;
	v57 =	vor.u32 s12, v19  }
0x176: {  	v0 =	vadd.f32 v51, v0;
	v3 =	vld.idx.msk [tilespmem:v3+s2+$0x0], $0xffff  }
0x177: {  	v50 =	vor.u32 s12, v17;
	v42 =	vadd.f32 v42, v49;
	v49 =	vld.idx.msk [tilespmem:v61+s1+$0x0], $0xffff  }
0x178: {  	v55 =	vmul.f32 v35, v56;
	v51 =	vadd.f32 v58, v0;
	v0 =	vimm.s32 $0xFFFFFF81;
	v56 =	vld.idx.msk [tilespmem:v59+s1+$0x0], $0xffff  }
0x179: {  	v2 =	vadd.s32 v45, v2;
	v61 =	vand.u32 $0x7FFFFF, v23;
	v59 =	vsel vm0, $0xFFFFFF82, v0;
	v0 =	vld [tilespmem:$0x1FF90]  }
0x17a: {  	v7 =	vadd.f32 v7, v42;
	v42 =	vor.u32 $0x3F800000, v61;
	v61 =	vld.idx.msk [tilespmem:v57+s1+$0x0], $0xffff;
	_ =	sdelay $0x1  }
0x17b: {  	v3 =	vadd.f32 v3, v47  }
0x17c: {  	v50 =	vld.idx.msk [tilespmem:v50+s1+$0x0], $0xffff;
	v4 =	vadd.s32 v45, v4  }
0x17d: {  	v58 =	vor.u32 s12, v20;
	v46 =	vld.idx.msk [tilespmem:v2+s2+$0x0], $0xffff;
	v3 =	vadd.f32 v48, v3  }
0x17e: {  	v2 =	vor.u32 s12, v15;
	v48 =	vadd.s32 v45, v61;
	v61 =	vor.u32 s12, v0;
	v0 =	vld [tilespmem:$0x1FFA0]  }
0x17f: {  	v5 =	vadd.f32 v5, v51;
	v3 =	vadd.f32 v7, v3;
	v7 =	vmul.f32 $5.000000000e-01, v42  }
0x180: {  	v6 =	vld [tilespmem:s11+$0x10];
	vm5 =	vgt.f32 v42, $1.414213540e+00;
	v49 =	vadd.s32 v45, v49  }
0x181: {  	v47 =	vld.idx.msk [tilespmem:v4+s2+$0x0], $0xffff;
	v3 =	vadd.f32 v3, v5;
	v35 =	vsel vm5, v7, v42;
	v57 =	vadd.s32 v45, v50  }
0x182: {  	v51 =	vld.idx.msk [tilespmem:v58+s1+$0x0], $0xffff;
	v42 =	vadd.f32 $1.000000000e+00, v35  }
0x183: {  	v3 =	vmul.f32 $1.442695020e+00, v3;
	v52 =	vor.u32 s12, v0;
	v0 =	vld [tilespmem:$0x1FFC0]  }
0x184: {  	v4 =	vor.u32 s12, v16;
	v2 =	vld.idx.msk [tilespmem:v2+s1+$0x0], $0xffff;
	(erf) = vrcp.f32 v42  }
0x185: {  	v60 =	vor.u32 s12, v18;
	(erf) = vpow2.f32 v3;
	v3 =	vld.idx.msk [tilespmem:v49+s2+$0x0], $0xffff  }
0x186: {  	v49 =	vld.idx.msk [tilespmem:v57+s2+$0x0], $0xffff  }
0x187: {  	v57 =	vld.idx.msk [tilespmem:v48+s2+$0x0], $0xffff  }
0x188: {  	v5 =	vadd.s32 v45, v21;
	v21 =	vmul.f32 v55, v55;
	v48 =	vor.u32 s12, v0;
	v0 =	vld [tilespmem:$0x1FFB0]  }
0x189: {  	v6 =	vadd.s32 v6, v45;
	v1 =	vmul.f32 v1, v63;
	v4 =	vld.idx.msk [tilespmem:v4+s1+$0x0], $0xffff  }
0x18a: {  	v7 =	vld.idx.msk [tilespmem:v60+s1+$0x0], $0xffff;
	v51 =	vadd.s32 v45, v51;
	v60 =	vadd.s32 v45, v62;
	v62 =	vmul.f32 $1.111111120e-01, v21  }
0x18b: {  	v1 =	vadd.f32 $2.000000030e-01, v1  }
0x18c: {  	v29 =	vshra.s32 v29, $0x17;
	v2 =	vadd.s32 v45, v2;
	v58 =	vadd.f32 $1.428571490e-01, v62  }
0x18d: {  	v1 =	vmul.f32 v1, v63;
	v29 =	vadd.s32 v29, v59;
	v59 =	vor.u32 s12, v0;
	v0 =	vld [tilespmem:$0x1FFD0]  }
0x18e: {  	v6 =	vld.idx.msk [tilespmem:v6+s2+$0x0], $0xffff;
	v50 =	vmul.f32 v58, v21  }
0x18f: {  	v1 =	vadd.f32 $3.333333430e-01, v1;
	v4 =	vadd.s32 v45, v4;
	v51 =	vld.idx.msk [tilespmem:v51+s2+$0x0], $0xffff  }
0x190: {  	v7 =	vadd.s32 v45, v7;
	v53 =	vld.idx.msk [tilespmem:v60+s2+$0x0], $0xffff;
	v60 =	vadd.f32 $2.000000030e-01, v50  }
0x191: {  	v1 =	vmul.f32 v1, v63;
	v2 =	vld.idx.msk [tilespmem:v2+s2+$0x0], $0xffff  }
0x192: {  	v62 =	vmul.f32 v60, v21;
	v50 =	vld.idx.msk [tilespmem:v61+s1+$0x0], $0xffff;
	v60 =	vor.u32 s12, v0;
	v0 =	vimm.s32 $0xFFFFFF81  }
0x193: {  	v28 =	vadd.f32 v28, v28;
	v1 =	vadd.f32 $1.000000000e+00, v1;
	v61 =	vsel vm1, $0xFFFFFF82, v0;
	v0 =	vld [tilespmem:$0x1FFE0]  }
0x194: {  	v31 =	vshra.s32 v31, $0x17;
	v38 =	vadd.f32 $-1.000000000e+00, v38;
	v4 =	vld.idx.msk [tilespmem:v4+s2+$0x0], $0xffff  }
0x195: {  	v1 =	vmul.f32 v1, v28;
	v29 =	vcvt.s32.f32 v29;
	v7 =	vld.idx.msk [tilespmem:v7+s2+$0x0], $0xffff;
	v42 =	vpop (erf);
	v28 =	vadd.f32 $3.333333430e-01, v62  }
0x196: {  	v6 =	vsub.f32 $0.0e+00, v6;
	v54 =	vadd.s32 v45, v56;
	v56 =	vor.u32 s12, v12;
	v5 =	vld.idx.msk [tilespmem:v5+s2+$0x0], $0xffff;
	v63 =	vpop (erf)  }
0x197: {  	v58 =	vmul.f32 $6.931471820e-01, v29;
	v29 =	vadd.f32 $1.000000000e+00, v63;
	v21 =	vmul.f32 v28, v21;
	v28 =	vld.idx.msk [tilespmem:v52+s1+$0x0], $0xffff  }
0x198: {  	v43 =	vmul.f32 v43, v38;
	v6 =	vmul.f32 $1.442695020e+00, v6;
	v48 =	vld.idx.msk [tilespmem:v48+s1+$0x0], $0xffff;
	v52 =	vor.u32 s12, v0  }
0x199: {  	v62 =	vor.u32 s12, v11;
	v59 =	vld.idx.msk [tilespmem:v59+s1+$0x0], $0xffff;
	v31 =	vadd.s32 v31, v61;
	v61 =	vand.u32 $0x7FFFFF, v29  }
0x19a: {  	v55 =	vadd.f32 v55, v55;
	v3 =	vadd.f32 v4, v3;
	v61 =	vor.u32 $0x3F800000, v61;
	v60 =	vld.idx.msk [tilespmem:v60+s1+$0x0], $0xffff;
	s12 =	sadd.s32 $0xFFFFFFF0, s9  }
0x19b: {  	v4 =	vadd.f32 v49, v5;
	v63 =	vmul.f32 $5.000000000e-01, v61;
	v49 =	vor.u32 s12, v8;
	v8 =	vld [tilespmem:$0x1FF70]  }
0x19c: {  	v56 =	vld.idx.msk [tilespmem:v56+s1+$0x0], $0xffff;
	v50 =	vadd.s32 v45, v50;
	v21 =	vadd.f32 $1.000000000e+00, v21;
	vm9 =	vgt.f32 v61, $1.414213540e+00  }
0x19d: {  	v53 =	vadd.f32 v53, v46;
	v28 =	vadd.s32 v45, v28;
	v38 =	vsel vm9, v63, v61;
	v52 =	vld.idx.msk [tilespmem:v52+s1+$0x0], $0xffff  }
0x19e: {  	v21 =	vmul.f32 v21, v55;
	v48 =	vadd.s32 v45, v48;
	v61 =	vld.idx.msk [tilespmem:v62+s1+$0x0], $0xffff;
	v55 =	vadd.f32 $1.000000000e+00, v38  }
0x19f: {  	v54 =	vld.idx.msk [tilespmem:v54+s2+$0x0], $0xffff;
	v7 =	vadd.f32 v7, v53;
	v31 =	vcvt.s32.f32 v31;
	v59 =	vadd.s32 v45, v59  }
0x1a0: {  	(erf) = vrcp.f32 v55;
	v60 =	vadd.s32 v45, v60;
	v53 =	vor.u32 s12, v8;
	v8 =	vld [tilespmem:$0x1FF80]  }
0x1a1: {  	v50 =	vld.idx.msk [tilespmem:v50+s2+$0x0], $0xffff;
	v31 =	vmul.f32 $6.931471820e-01, v31;
	v55 =	vadd.s32 v45, v56;
	(erf) = vpow2.f32 v6  }
0x1a2: {  	v28 =	vld.idx.msk [tilespmem:v28+s2+$0x0], $0xffff;
	v52 =	vadd.s32 v45, v52  }
0x1a3: {  	v21 =	vadd.f32 v21, v31;
	v31 =	vld.idx.msk [tilespmem:v48+s2+$0x0], $0xffff;
	v45 =	vadd.s32 v45, v61  }
0x1a4: {  	v2 =	vadd.f32 v2, v47;
	v59 =	vld.idx.msk [tilespmem:v59+s2+$0x0], $0xffff  }
0x1a5: {  	v5 =	vld.idx.msk [tilespmem:v60+s2+$0x0], $0xffff;
	v60 =	vor.u32 s12, v8  }
0x1a6: {  	v2 =	vadd.f32 v57, v2;
	v46 =	vld.idx.msk [tilespmem:v55+s2+$0x0], $0xffff  }
0x1a7: {  	v25 =	vshra.s32 v25, $0x17;
	v3 =	vadd.f32 v51, v3;
	v4 =	vadd.f32 v54, v4;
	v52 =	vld.idx.msk [tilespmem:v52+s2+$0x0], $0xffff  }
0x1a8: {  	v7 =	vadd.f32 v50, v7;
	v2 =	vadd.f32 v28, v2;
	v0 =	vimm.s32 $0xFFFFFF81;
	v45 =	vld.idx.msk [tilespmem:v45+s2+$0x0], $0xffff  }
0x1a9: {  	v62 =	vmul.f32 v43, v43;
	v0 =	vsel vm2, $0xFFFFFF82, v0;
	v61 =	vadd.f32 $-1.000000000e+00, v41;
	v41 =	vpop (erf)  }
0x1aa: {  	v57 =	vor.u32 s12, v14;
	v3 =	vadd.f32 v31, v3;
	v50 =	vpop (erf);
	v51 =	vld.idx.msk [tilespmem:v60+s1+$0x0], $0xffff;
	v60 =	vor.u32 s12, v17  }
0x1ab: {  	v63 =	vld [tilespmem:s10+$0x20];
	v0 =	vadd.s32 v25, v0;
	v4 =	vadd.f32 v59, v4;
	v31 =	vadd.f32 $1.000000000e+00, v50  }
0x1ac: {  	v25 =	vor.u32 s12, v13;
	v7 =	vadd.f32 v46, v7;
	v2 =	vadd.f32 v5, v2  }
0x1ad: {  	v5 =	vld.idx.msk [tilespmem:v53+s1+$0x0], $0xffff;
	v59 =	vand.u32 $0x7FFFFF, v31;
	v3 =	vadd.f32 v52, v3;
	v4 =	vadd.f32 v45, v4  }
0x1ae: {  	v6 =	vmul.f32 $1.111111120e-01, v62;
	v8 =	vld [tilespmem:$0x1FFF0];
	v2 =	vadd.f32 v2, v7;
	v7 =	vor.u32 $0x3F800000, v59  }
0x1af: {  	v50 =	vor.u32 s12, v16;
	v59 =	vld.idx.msk [tilespmem:v60+s1+$0x0], $0xffff;
	v3 =	vadd.f32 v4, v3;
	v4 =	vmul.f32 $5.000000000e-01, v7  }
0x1b0: {  	v48 =	vshll.u32 v63, $0x7;
	v6 =	vadd.f32 $1.428571490e-01, v6;
	v47 =	vld.idx.msk [tilespmem:v57+s1+$0x0], $0xffff;
	vm10 =	vgt.f32 v7, $1.414213540e+00  }
0x1b1: {  	v55 =	vmul.f32 v39, v61;
	v2 =	vadd.f32 v3, v2;
	v39 =	vsel vm10, v4, v7  }
0x1b2: {  	v3 =	vadd.s32 v48, v5;
	v5 =	vmul.f32 v6, v62;
	v6 =	vadd.f32 $1.000000000e+00, v39  }
0x1b3: {  	v56 =	vld [tilespmem:s11+$0x20];
	v57 =	vor.u32 s12, v19;
	v63 =	vor.u32 s12, v8  }
0x1b4: {  	v8 =	vimm.s32 $0xFFFFFF81;
	v4 =	vld.idx.msk [tilespmem:v50+s1+$0x0], $0xffff;
	v50 =	vadd.s32 v48, v59;
	(erf) = vrcp.f32 v6  }
0x1b5: {  	v25 =	vld.idx.msk [tilespmem:v25+s1+$0x0], $0xffff;
	v6 =	vadd.s32 v48, v47;
	v47 =	vsel vm3, $0xFFFFFF82, v8;
	v8 =	vimm.s32 $0xFFFFFF81  }
0x1b6: {  	v45 =	vsel vm7, $0xFFFFFF82, v8;
	v8 =	vld [tilespmem:$0x1FF90]  }
0x1b7: {  	v46 =	vld.idx.msk [tilespmem:v49+s1+$0x0], $0xffff;
	v49 =	vor.u32 s12, v15  }
0x1b8: {  	v9 =	vimm.s32 $0xFFFFFF81  }
0x1b9: {  	v1 =	vadd.f32 v1, v58;
	v58 =	vsel vm4, $0xFFFFFF82, v9;
	v9 =	vor.u32 s12, v11;
	v53 =	vld.idx.msk [tilespmem:v57+s1+$0x0], $0xffff  }
0x1ba: {  	v56 =	vadd.s32 v56, v48;
	v57 =	vld.idx.msk [tilespmem:v50+s2+$0x0], $0xffff  }
0x1bb: {  	v50 =	vor.u32 s12, v8;
	v8 =	vld [tilespmem:$0x1FFA0]  }
0x1bc: {  	v25 =	vadd.s32 v48, v25;
	v49 =	vld.idx.msk [tilespmem:v49+s1+$0x0], $0xffff  }
0x1bd: {  	v46 =	vadd.s32 v48, v46;
	v28 =	vld.idx.msk [tilespmem:v63+s1+$0x0], $0xffff;
	v63 =	vor.u32 s12, v18  }
0x1be: {  	v9 =	vld.idx.msk [tilespmem:v9+s1+$0x0], $0xffff;
	v7 =	vadd.s32 v48, v51;
	v51 =	vmul.f32 v55, v55;
	v2 =	vmul.f32 $1.442695020e+00, v2  }
0x1bf: {  	v54 =	vld.idx.msk [tilespmem:v56+s2+$0x0], $0xffff  }
0x1c0: {  	v61 =	vmul.f32 $1.111111120e-01, v51;
	(erf) = vpow2.f32 v2;
	v59 =	vor.u32 s12, v8;
	v8 =	vld [tilespmem:$0x1FFC0]  }
0x1c1: {  	v25 =	vld.idx.msk [tilespmem:v25+s2+$0x0], $0xffff;
	v49 =	vadd.s32 v48, v49  }
0x1c2: {  	v1 =	vadd.f32 v21, v1;
	v60 =	vld.idx.msk [tilespmem:v63+s1+$0x0], $0xffff;
	v21 =	vadd.f32 $1.428571490e-01, v61  }
0x1c3: {  	v28 =	vadd.s32 v48, v28;
	v5 =	vadd.f32 $2.000000030e-01, v5;
	v2 =	vld.idx.msk [tilespmem:v46+s2+$0x0], $0xffff  }
0x1c4: {  	v46 =	vadd.f32 v1, v10;
	v3 =	vld.idx.msk [tilespmem:v3+s2+$0x0], $0xffff;
	v1 =	vmul.f32 v21, v51;
	v21 =	vadd.s32 v48, v53  }
0x1c5: {  	v5 =	vmul.f32 v5, v62;
	v61 =	vor.u32 s12, v8;
	v8 =	vld [tilespmem:$0x1FFB0]  }
0x1c6: {  	v53 =	vld.idx.msk [tilespmem:v49+s2+$0x0], $0xffff;
	v49 =	vor.u32 s12, v20  }
0x1c7: {  	v7 =	vld.idx.msk [tilespmem:v7+s2+$0x0], $0xffff;
	v5 =	vadd.f32 $3.333333430e-01, v5  }
0x1c8: {  	v63 =	vadd.f32 v43, v43;
	v4 =	vadd.s32 v48, v4;
	v28 =	vld.idx.msk [tilespmem:v28+s2+$0x0], $0xffff;
	v1 =	vadd.f32 $2.000000030e-01, v1;
	v43 =	vpop (erf)  }
0x1c9: {  	v52 =	vadd.s32 v48, v60;
	v5 =	vmul.f32 v5, v62;
	v60 =	vld.idx.msk [tilespmem:v21+s2+$0x0], $0xffff;
	v56 =	vpop (erf)  }
0x1ca: {  	v1 =	vmul.f32 v1, v51;
	v21 =	vadd.f32 $1.000000000e+00, v56;
	v56 =	vor.u32 s12, v8;
	v8 =	vld [tilespmem:$0x1FFD0]  }
0x1cb: {  	v27 =	vshra.s32 v27, $0x17;
	v62 =	vor.u32 s12, v12;
	v49 =	vld.idx.msk [tilespmem:v49+s1+$0x0], $0xffff  }
0x1cc: {  	v58 =	vadd.s32 v27, v58;
	v6 =	vld.idx.msk [tilespmem:v6+s2+$0x0], $0xffff;
	v5 =	vadd.f32 $1.000000000e+00, v5;
	v1 =	vadd.f32 $3.333333430e-01, v1  }
0x1cd: {  	v27 =	vadd.f32 $-1.000000000e+00, v34;
	v0 =	vcvt.s32.f32 v0;
	v10 =	vimm.s32 $0xFFFFFF81;
	v4 =	vld.idx.msk [tilespmem:v4+s2+$0x0], $0xffff  }
0x1ce: {  	v5 =	vmul.f32 v5, v63;
	v57 =	vadd.f32 v57, v28;
	v1 =	vmul.f32 v1, v51;
	v51 =	vld.idx.msk [tilespmem:v50+s1+$0x0], $0xffff  }
0x1cf: {  	v50 =	vmul.f32 v37, v27;
	v34 =	vand.u32 $0x7FFFFF, v21;
	v63 =	vor.u32 s12, v8;
	v8 =	vld [tilespmem:$0x1FFE0]  }
0x1d0: {  	v62 =	vld.idx.msk [tilespmem:v62+s1+$0x0], $0xffff;
	v27 =	vor.u32 $0x3F800000, v34;
	v34 =	vsel vm8, $0xFFFFFF82, v10;
	v10 =	vadd.s32 v48, v49  }
0x1d1: {  	v0 =	vmul.f32 $6.931471820e-01, v0;
	v52 =	vld.idx.msk [tilespmem:v52+s2+$0x0], $0xffff  }
0x1d2: {  	v25 =	vadd.f32 v25, v57;
	v57 =	vld [tilespmem:$0x1FFF0]  }
0x1d3: {  	v0 =	vadd.f32 v5, v0;
	v5 =	vadd.s32 v48, v9;
	v37 =	vld.idx.msk [tilespmem:v59+s1+$0x0], $0xffff  }
0x1d4: {  	v40 =	vadd.f32 $-1.000000000e+00, v40;
	v61 =	vld.idx.msk [tilespmem:v61+s1+$0x0], $0xffff;
	v59 =	vor.u32 s12, v8  }
0x1d5: {  	v62 =	vadd.s32 v48, v62;
	v10 =	vld.idx.msk [tilespmem:v10+s2+$0x0], $0xffff  }
0x1d6: {  	v49 =	vmul.f32 v44, v40;
	v44 =	vadd.s32 v48, v51;
	v56 =	vld.idx.msk [tilespmem:v56+s1+$0x0], $0xffff  }
0x1d7: {  	v8 =	vmul.f32 $5.000000000e-01, v27;
	v51 =	vld.idx.msk [tilespmem:v63+s1+$0x0], $0xffff  }
0x1d8: {  	v54 =	vsub.f32 $0.0e+00, v54;
	vm11 =	vgt.f32 v27, $1.414213540e+00;
	v5 =	vld.idx.msk [tilespmem:v5+s2+$0x0], $0xffff;
	v37 =	vadd.s32 v48, v37  }
0x1d9: {  	v2 =	vadd.f32 v6, v2;
	v61 =	vadd.s32 v48, v61;
	v27 =	vsel vm11, v8, v27;
	v59 =	vld.idx.msk [tilespmem:v59+s1+$0x0], $0xffff  }
0x1da: {  	v4 =	vadd.f32 v4, v7;
	v6 =	vld.idx.msk [tilespmem:v62+s2+$0x0], $0xffff;
	v40 =	vadd.f32 $1.000000000e+00, v27  }
0x1db: {  	v58 =	vcvt.s32.f32 v58;
	v54 =	vmul.f32 $1.442695020e+00, v54;
	v44 =	vld.idx.msk [tilespmem:v44+s2+$0x0], $0xffff;
	v56 =	vadd.s32 v48, v56  }
0x1dc: {  	v4 =	vadd.f32 v10, v4;
	v10 =	vld [tilespmem:$0x1FF70];
	(erf) = vrcp.f32 v40;
	v51 =	vadd.s32 v48, v51  }
0x1dd: {  	v55 =	vadd.f32 v55, v55;
	v3 =	vadd.f32 v53, v3;
	v37 =	vld.idx.msk [tilespmem:v37+s2+$0x0], $0xffff;
	(erf) = vpow2.f32 v54  }
0x1de: {  	v1 =	vadd.f32 $1.000000000e+00, v1;
	v8 =	vmul.f32 v50, v50;
	v59 =	vadd.s32 v48, v59;
	v48 =	vld.idx.msk [tilespmem:v61+s2+$0x0], $0xffff  }
0x1df: {  	v58 =	vmul.f32 $6.931471820e-01, v58;
	v2 =	vadd.f32 v52, v2;
	v61 =	vld [tilespmem:$0x1FF80]  }
0x1e0: {  	v3 =	vadd.f32 v60, v3;
	v1 =	vmul.f32 v1, v55;
	v40 =	vmul.f32 $1.111111120e-01, v8;
	v55 =	vld.idx.msk [tilespmem:v56+s2+$0x0], $0xffff  }
0x1e1: {  	v2 =	vadd.f32 v44, v2;
	v10 =	vor.u32 s9, v10;
	v63 =	vlaneseq.u32;
	v7 =	vld.idx.msk [tilespmem:v51+s2+$0x0], $0xffff  }
0x1e2: {  	v3 =	vadd.f32 v37, v3;
	v37 =	vld [tilespmem:s10+$0x30];
	v40 =	vadd.f32 $1.428571490e-01, v40;
	v51 =	vor.u32 s9, v63  }
0x1e3: {  	v60 =	vor.u32 s9, v14;
	v2 =	vadd.f32 v6, v2;
	v56 =	vshra.s32 v26, $0x17;
	v28 =	vld.idx.msk [tilespmem:v59+s2+$0x0], $0xffff  }
0x1e4: {  	v54 =	vmul.f32 v49, v49;
	v40 =	vmul.f32 v40, v8;
	v62 =	vor.u32 s9, v61  }
0x1e5: {  	v53 =	vld [tilespmem:s11+$0x30];
	v26 =	vpop (erf);
	v4 =	vadd.f32 v48, v4;
	v48 =	vor.u32 s9, v57;
	v59 =	vadd.f32 v55, v25  }
0x1e6: {  	v10 =	vld.idx.msk [tilespmem:v10+s1+$0x0], $0xffff;
	v40 =	vadd.f32 $2.000000030e-01, v40;
	v6 =	vpop (erf);
	v3 =	vadd.f32 v7, v3;
	v7 =	vor.u32 s9, v15  }
0x1e7: {  	v25 =	vadd.f32 $1.000000000e+00, v6;
	v6 =	vld.idx.msk [tilespmem:v51+s1+$0x0], $0xffff;
	v5 =	vadd.f32 v5, v59;
	v59 =	vor.u32 s9, v18  }
0x1e8: {  	v57 =	vshll.u32 v37, $0x7;
	v55 =	vld.idx.msk [tilespmem:v60+s1+$0x0], $0xffff;
	v4 =	vadd.f32 v28, v4;
	v28 =	vor.u32 s9, v16  }
0x1e9: {  	v2 =	vadd.f32 v3, v2;
	v3 =	vand.u32 $0x7FFFFF, v25;
	v61 =	vld.idx.msk [tilespmem:v62+s1+$0x0], $0xffff;
	v62 =	vor.u32 s9, v17  }
0x1ea: {  	v9 =	vmul.f32 $1.111111120e-01, v54;
	v53 =	vadd.s32 v53, v57;
	v3 =	vor.u32 $0x3F800000, v3;
	v48 =	vld.idx.msk [tilespmem:v48+s1+$0x0], $0xffff  }
0x1eb: {  	v40 =	vmul.f32 v40, v8;
	v7 =	vld.idx.msk [tilespmem:v7+s1+$0x0], $0xffff;
	v4 =	vadd.f32 v5, v4;
	v5 =	vmul.f32 $5.000000000e-01, v3  }
0x1ec: {  	v9 =	vadd.f32 $1.428571490e-01, v9;
	vm12 =	vgt.f32 v3, $1.414213540e+00;
	v6 =	vadd.s32 v57, v6;
	v59 =	vld.idx.msk [tilespmem:v59+s1+$0x0], $0xffff  }
0x1ed: {  	v2 =	vadd.f32 v4, v2;
	v37 =	vsel vm12, v5, v3;
	v5 =	vadd.f32 $3.333333430e-01, v40;
	v4 =	vld.idx.msk [tilespmem:v28+s1+$0x0], $0xffff  }
0x1ee: {  	v9 =	vmul.f32 v9, v54;
	v3 =	vadd.s32 v57, v10;
	v10 =	vadd.f32 $1.000000000e+00, v37;
	v62 =	vld.idx.msk [tilespmem:v62+s1+$0x0], $0xffff  }
0x1ef: {  	v61 =	vadd.s32 v57, v61;
	v2 =	vmul.f32 $1.442695020e+00, v2;
	v5 =	vmul.f32 v5, v8;
	v8 =	vld.idx.msk [tilespmem:v53+s2+$0x0], $0xffff  }
0x1f0: {  	v48 =	vadd.s32 v57, v48;
	(erf) = vrcp.f32 v10;
	v10 =	vadd.s32 v57, v55;
	v55 =	vld [tilespmem:$0x1FF90]  }
0x1f1: {  	v30 =	vadd.f32 $-1.000000000e+00, v30;
	v1 =	vadd.f32 v1, v58;
	(erf) = vpow2.f32 v2;
	v2 =	vld.idx.msk [tilespmem:v6+s2+$0x0], $0xffff  }
0x1f2: {  	v9 =	vadd.f32 $2.000000030e-01, v9;
	v6 =	vadd.s32 v57, v7;
	v7 =	vadd.s32 v56, v47;
	v56 =	vld [tilespmem:$0x1FFA0]  }
0x1f3: {  	v33 =	vadd.f32 $-1.000000000e+00, v33;
	v0 =	vadd.f32 v1, v0;
	v60 =	vimm.s32 $0xFFFFFF81;
	v3 =	vld.idx.msk [tilespmem:v3+s2+$0x0], $0xffff  }
0x1f4: {  	v44 =	vsel vm6, $0xFFFFFF82, v60;
	v9 =	vmul.f32 v9, v54;
	v60 =	vadd.f32 v50, v50;
	v28 =	vld.idx.msk [tilespmem:v61+s2+$0x0], $0xffff  }
0x1f5: {  	v5 =	vadd.f32 $1.000000000e+00, v5;
	v7 =	vcvt.s32.f32 v7;
	v48 =	vld.idx.msk [tilespmem:v48+s2+$0x0], $0xffff;
	v61 =	vadd.s32 v57, v59  }
0x1f6: {  	v46 =	vadd.f32 v0, v46;
	v1 =	vadd.f32 $3.333333430e-01, v9;
	v59 =	vld [tilespmem:$0x1FFC0]  }
0x1f7: {  	v4 =	vadd.s32 v57, v4;
	v5 =	vmul.f32 v5, v60;
	v60 =	vld [tilespmem:$0x1FFB0];
	v7 =	vmul.f32 $6.931471820e-01, v7  }
0x1f8: {  	v27 =	vadd.f32 $-1.000000000e+00, v27;
	v49 =	vadd.f32 v49, v49;
	v0 =	vmul.f32 v1, v54;
	v9 =	vld.idx.msk [tilespmem:v10+s2+$0x0], $0xffff  }
0x1f9: {  	v40 =	vadd.s32 v57, v62;
	v6 =	vld.idx.msk [tilespmem:v6+s2+$0x0], $0xffff;
	v5 =	vadd.f32 v5, v7;
	v7 =	vshra.s32 v24, $0x17  }
0x1fa: {  	v0 =	vadd.f32 $1.000000000e+00, v0;
	v10 =	vor.u32 s9, v19;
	v7 =	vadd.s32 v7, v45;
	v45 =	vld.idx.msk [tilespmem:v61+s2+$0x0], $0xffff  }
0x1fb: {  	v32 =	vshra.s32 v32, $0x17;
	v33 =	vmul.f32 v36, v33;
	v26 =	vmul.f32 v26, v27;
	v61 =	vld [tilespmem:$0x1FF60]  }
0x1fc: {  	v32 =	vadd.s32 v32, v44;
	v0 =	vmul.f32 v0, v49;
	v52 =	vor.u32 s9, v55;
	v1 =	vld.idx.msk [tilespmem:v4+s2+$0x0], $0xffff  }
0x1fd: {  	v62 =	vor.u32 s9, v20;
	v7 =	vcvt.s32.f32 v7;
	v54 =	vor.u32 s9, v60;
	v60 =	vld [tilespmem:$0x1FFD0]  }
0x1fe: {  	v49 =	vor.u32 s9, v12;
	v8 =	vsub.f32 $0.0e+00, v8;
	v50 =	vor.u32 s9, v56;
	v51 =	vld.idx.msk [tilespmem:v40+s2+$0x0], $0xffff;
	v40 =	vpop (erf)  }
0x1ff: {  	v4 =	vor.u32 s9, v13;
	v53 =	vor.u32 s9, v59;
	v58 =	vpop (erf);
	v10 =	vld.idx.msk [tilespmem:v10+s1+$0x0], $0xffff;
	v7 =	vmul.f32 $6.931471820e-01, v7  }
0x200: {  	v2 =	vadd.f32 v9, v2;
	v24 =	vadd.f32 $1.000000000e+00, v58;
	v55 =	vmul.f32 v61, v30;
	v61 =	vld [tilespmem:$0x1FFE0]  }
0x201: {  	v8 =	vmul.f32 $1.442695020e+00, v8;
	v52 =	vld.idx.msk [tilespmem:v52+s1+$0x0], $0xffff;
	v3 =	vadd.f32 v6, v3;
	v0 =	vadd.f32 v0, v7  }
0x202: {  	v47 =	vld.idx.msk [tilespmem:v62+s1+$0x0], $0xffff;
	v62 =	vand.u32 $0x7FFFFF, v24;
	v56 =	vor.u32 s9, v60;
	v60 =	vor.u32 s9, v11  }
0x203: {  	v50 =	vld.idx.msk [tilespmem:v50+s1+$0x0], $0xffff;
	v1 =	vadd.f32 v1, v28;
	v48 =	vadd.f32 v51, v48;
	v7 =	vor.u32 $0x3F800000, v62  }
0x204: {  	v4 =	vld.idx.msk [tilespmem:v4+s1+$0x0], $0xffff;
	v2 =	vadd.f32 v45, v2;
	v45 =	vadd.f32 $-1.000000000e+00, v39;
	v30 =	vmul.f32 $5.000000000e-01, v7  }
0x205: {  	v53 =	vld.idx.msk [tilespmem:v53+s1+$0x0], $0xffff;
	v59 =	vmul.f32 v55, v55;
	vm13 =	vgt.f32 v7, $1.414213540e+00;
	v58 =	vor.u32 s9, v61  }
0x206: {  	v54 =	vld.idx.msk [tilespmem:v54+s1+$0x0], $0xffff;
	v10 =	vadd.s32 v57, v10;
	v52 =	vadd.s32 v57, v52;
	v30 =	vsel vm13, v30, v7  }
0x207: {  	v62 =	vmul.f32 $1.111111120e-01, v59;
	v7 =	vadd.s32 v57, v47;
	v47 =	vld.idx.msk [tilespmem:v49+s1+$0x0], $0xffff;
	v49 =	vadd.f32 $1.000000000e+00, v30  }
0x208: {  	v51 =	vmul.f32 v26, v26;
	v36 =	vadd.s32 v57, v50;
	v50 =	vmul.f32 v33, v33;
	v56 =	vld.idx.msk [tilespmem:v56+s1+$0x0], $0xffff  }
0x209: {  	v0 =	vadd.f32 v0, v5;
	v5 =	vadd.f32 $1.428571490e-01, v62;
	(erf) = vrcp.f32 v49;
	v49 =	vld.idx.msk [tilespmem:v60+s1+$0x0], $0xffff  }
0x20a: {  	v33 =	vadd.f32 v33, v33;
	v4 =	vadd.s32 v57, v4;
	v62 =	vmul.f32 $1.111111120e-01, v50;
	v58 =	vld.idx.msk [tilespmem:v58+s1+$0x0], $0xffff  }
0x20b: {  	v0 =	vadd.f32 v0, v46;
	v9 =	vld.idx.msk [tilespmem:v10+s2+$0x0], $0xffff;
	v10 =	vadd.s32 v57, v53;
	v5 =	vmul.f32 v5, v59  }
0x20c: {  	v52 =	vld.idx.msk [tilespmem:v52+s2+$0x0], $0xffff;
	(erf) = vpow2.f32 v8;
	v8 =	vadd.f32 $1.428571490e-01, v62;
	v6 =	vadd.s32 v57, v47  }
0x20d: {  	v61 =	vimm.s32 $0xFFFFFF81;
	v30 =	vadd.f32 $-1.000000000e+00, v30;
	v53 =	vadd.s32 v57, v54;
	v7 =	vld.idx.msk [tilespmem:v7+s2+$0x0], $0xffff  }
0x20e: {  	v36 =	vld.idx.msk [tilespmem:v36+s2+$0x0], $0xffff;
	v5 =	vadd.f32 $2.000000030e-01, v5;
	v8 =	vmul.f32 v8, v50;
	v49 =	vadd.s32 v57, v49  }
0x20f: {  	v61 =	vsel vm5, $0xFFFFFF82, v61;
	v62 =	vimm.s32 $0xFFFFFF81;
	v4 =	vld.idx.msk [tilespmem:v4+s2+$0x0], $0xffff;
	v60 =	vadd.s32 v57, v58  }
0x210: {  	v54 =	vadd.s32 v57, v56;
	v5 =	vmul.f32 v5, v59;
	v10 =	vld.idx.msk [tilespmem:v10+s2+$0x0], $0xffff;
	v8 =	vadd.f32 $2.000000030e-01, v8  }
0x211: {  	v47 =	vsel vm9, $0xFFFFFF82, v62;
	v3 =	vadd.f32 v9, v3;
	v2 =	vadd.f32 v52, v2;
	v6 =	vld.idx.msk [tilespmem:v6+s2+$0x0], $0xffff  }
0x212: {  	v53 =	vld.idx.msk [tilespmem:v53+s2+$0x0], $0xffff;
	v5 =	vadd.f32 $3.333333430e-01, v5;
	v1 =	vadd.f32 v7, v1;
	v8 =	vmul.f32 v8, v50  }
0x213: {  	v9 =	vimm.s32 $0xFFFFFF81;
	v7 =	vadd.f32 $-1.000000000e+00, v35;
	v3 =	vadd.f32 v36, v3;
	v56 =	vld.idx.msk [tilespmem:v49+s2+$0x0], $0xffff  }
0x214: {  	v4 =	vadd.f32 v4, v48;
	v5 =	vmul.f32 v5, v59;
	v8 =	vadd.f32 $3.333333430e-01, v8;
	v28 =	vld.idx.msk [tilespmem:v60+s2+$0x0], $0xffff  }
0x215: {  	v54 =	vld.idx.msk [tilespmem:v54+s2+$0x0], $0xffff;
	v1 =	vadd.f32 v10, v1;
	v10 =	vshra.s32 v22, $0x17;
	v22 =	vadd.f32 v55, v55  }
0x216: {  	v9 =	vsel vm10, $0xFFFFFF82, v9;
	v5 =	vadd.f32 $1.000000000e+00, v5;
	v2 =	vadd.f32 v6, v2;
	v6 =	vpop (erf)  }
0x217: {  	v7 =	vmul.f32 v42, v7;
	v59 =	vadd.f32 $-1.000000000e+00, v38;
	v4 =	vadd.f32 v53, v4;
	v58 =	vpop (erf)  }
0x218: {  	v53 =	vmul.f32 $1.111111120e-01, v51;
	v5 =	vmul.f32 v5, v22;
	v22 =	vadd.f32 $1.000000000e+00, v58  }
0x219: {  	v55 =	vimm.s32 $0xFFFFFF81;
	v4 =	vadd.f32 v56, v4;
	v1 =	vadd.f32 v28, v1  }
0x21a: {  	v10 =	vadd.s32 v10, v34;
	v57 =	vmul.f32 v7, v7;
	v3 =	vadd.f32 v54, v3  }
0x21b: {  	v8 =	vmul.f32 v8, v50;
	v1 =	vadd.f32 v4, v1;
	v4 =	vand.u32 $0x7FFFFF, v22  }
0x21c: {  	v2 =	vadd.f32 v3, v2;
	v3 =	vmul.f32 $1.111111120e-01, v57;
	v4 =	vor.u32 $0x3F800000, v4  }
0x21d: {  	v7 =	vadd.f32 v7, v7;
	v28 =	vmul.f32 v41, v59;
	v60 =	vmul.f32 $5.000000000e-01, v4  }
0x21e: {  	v10 =	vcvt.s32.f32 v10;
	v3 =	vadd.f32 $1.428571490e-01, v3;
	vm14 =	vgt.f32 v4, $1.414213540e+00  }
0x21f: {  	v62 =	vmul.f32 v28, v28;
	v1 =	vadd.f32 v1, v2;
	v4 =	vsel vm14, v60, v4  }
0x220: {  	v6 =	vmul.f32 v6, v30;
	v3 =	vmul.f32 v3, v57;
	v41 =	vadd.f32 $1.000000000e+00, v4  }
0x221: {  	v8 =	vadd.f32 $1.000000000e+00, v8;
	v42 =	vmul.f32 $1.111111120e-01, v62;
	v1 =	vmul.f32 $1.442695020e+00, v1  }
0x222: {  	v10 =	vmul.f32 $6.931471820e-01, v10;
	v3 =	vadd.f32 $2.000000030e-01, v3;
	(erf) = vrcp.f32 v41  }
0x223: {  	v44 =	vadd.f32 $1.428571490e-01, v42;
	(erf) = vpow2.f32 v1;
	v1 =	vcvt.s32.f32 v32  }
0x224: {  	v54 =	vimm.s32 $0xFFFFFF81;
	v8 =	vmul.f32 v8, v33;
	v3 =	vmul.f32 v3, v57  }
0x225: {  	v35 =	vsel vm12, $0xFFFFFF82, v54;
	v32 =	vmul.f32 v44, v62;
	v1 =	vmul.f32 $6.931471820e-01, v1  }
0x226: {  	v5 =	vadd.f32 v5, v10;
	v10 =	vmul.f32 v43, v45;
	v3 =	vadd.f32 $3.333333430e-01, v3  }
0x227: {  	v1 =	vadd.f32 v8, v1;
	v8 =	vshra.s32 v23, $0x17;
	v23 =	vadd.f32 $2.000000030e-01, v32  }
0x228: {  	v48 =	vmul.f32 v10, v10;
	v3 =	vmul.f32 v3, v57;
	v8 =	vadd.s32 v8, v61  }
0x229: {  	v1 =	vadd.f32 v1, v5;
	v5 =	vcvt.s32.f32 v8;
	v8 =	vmul.f32 v23, v62  }
0x22a: {  	v56 =	vadd.f32 $-1.000000000e+00, v37;
	v3 =	vadd.f32 $1.000000000e+00, v3;
	v23 =	vmul.f32 $1.111111120e-01, v48  }
0x22b: {  	v30 =	vmul.f32 v6, v6;
	v6 =	vadd.f32 v6, v6;
	v8 =	vadd.f32 $3.333333430e-01, v8  }
0x22c: {  	v3 =	vmul.f32 v3, v7;
	v7 =	vshra.s32 v29, $0x17;
	v49 =	vpop (erf);
	v23 =	vadd.f32 $1.428571490e-01, v23  }
0x22d: {  	v10 =	vadd.f32 v10, v10;
	v7 =	vadd.s32 v7, v47;
	v50 =	vpop (erf);
	v8 =	vmul.f32 v8, v62  }
0x22e: {  	v7 =	vcvt.s32.f32 v7;
	v23 =	vmul.f32 v23, v48;
	v27 =	vadd.f32 $1.000000000e+00, v50  }
0x22f: {  	v58 =	vmul.f32 $1.111111120e-01, v30;
	v28 =	vadd.f32 v28, v28;
	v8 =	vadd.f32 $1.000000000e+00, v8  }
0x230: {  	v7 =	vmul.f32 $6.931471820e-01, v7;
	v23 =	vadd.f32 $2.000000030e-01, v23;
	v52 =	vand.u32 $0x7FFFFF, v27  }
0x231: {  	v5 =	vmul.f32 $6.931471820e-01, v5;
	v34 =	vor.u32 $0x3F800000, v52;
	v8 =	vmul.f32 v8, v28  }
0x232: {  	v0 =	vadd.f32 v1, v0;
	v1 =	vmul.f32 v23, v48;
	v23 =	vmul.f32 $5.000000000e-01, v34  }
0x233: {  	v4 =	vadd.f32 $-1.000000000e+00, v4;
	v3 =	vadd.f32 v3, v5;
	vm15 =	vgt.f32 v34, $1.414213540e+00  }
0x234: {  	v5 =	vadd.f32 v8, v7;
	v7 =	vsel vm15, v23, v34;
	v1 =	vadd.f32 $3.333333430e-01, v1  }
0x235: {  	v57 =	vmul.f32 v40, v56;
	v28 =	vadd.f32 $1.428571490e-01, v53;
	v23 =	vadd.f32 $1.000000000e+00, v7  }
0x236: {  	v2 =	vimm.s32 $0xFFFFFF81;
	v4 =	vmul.f32 v49, v4;
	v1 =	vmul.f32 v1, v48  }
0x237: {  	v8 =	vmul.f32 v28, v51;
	(erf) = vrcp.f32 v23;
	v23 =	vshra.s32 v31, $0x17  }
0x238: {  	v1 =	vadd.f32 $1.000000000e+00, v1;
	v9 =	vadd.s32 v23, v9;
	v23 =	vmul.f32 v57, v57  }
0x239: {  	v2 =	vsel vm11, $0xFFFFFF82, v2;
	v59 =	vmul.f32 v4, v4;
	v8 =	vadd.f32 $2.000000030e-01, v8  }
0x23a: {  	v1 =	vmul.f32 v1, v10;
	v10 =	vshra.s32 v21, $0x17;
	v21 =	vmul.f32 $1.111111120e-01, v23  }
0x23b: {  	v62 =	vimm.s32 $0xFFFFFF81;
	v8 =	vmul.f32 v8, v51;
	v9 =	vcvt.s32.f32 v9  }
0x23c: {  	v2 =	vadd.s32 v10, v2;
	v10 =	vadd.f32 $1.428571490e-01, v21;
	v21 =	vadd.f32 $1.428571490e-01, v58  }
0x23d: {  	v4 =	vadd.f32 v4, v4;
	v60 =	vmul.f32 $1.111111120e-01, v59;
	v8 =	vadd.f32 $3.333333430e-01, v8  }
0x23e: {  	v28 =	vsel vm13, $0xFFFFFF82, v55;
	v3 =	vadd.f32 v5, v3;
	v9 =	vmul.f32 $6.931471820e-01, v9  }
0x23f: {  	v7 =	vadd.f32 $-1.000000000e+00, v7;
	v8 =	vmul.f32 v8, v51;
	v2 =	vcvt.s32.f32 v2  }
0x240: {  	v0 =	vadd.f32 v3, v0;
	v5 =	vmul.f32 v10, v23;
	v10 =	vmul.f32 v21, v30;
	v21 =	vpop (erf)  }
0x241: {  	v8 =	vadd.f32 $1.000000000e+00, v8;
	v7 =	vmul.f32 v21, v7;
	v21 =	vadd.f32 v26, v26  }
0x242: {  	v2 =	vmul.f32 $6.931471820e-01, v2;
	v5 =	vadd.f32 $2.000000030e-01, v5;
	v10 =	vadd.f32 $2.000000030e-01, v10  }
0x243: {  	v1 =	vadd.f32 v1, v9;
	v61 =	vmul.f32 v7, v7;
	v8 =	vmul.f32 v8, v21  }
0x244: {  	v5 =	vmul.f32 v5, v23;
	v9 =	vmul.f32 v10, v30;
	v10 =	vadd.f32 $1.428571490e-01, v60  }
0x245: {  	v7 =	vadd.f32 v7, v7;
	v21 =	vmul.f32 $1.111111120e-01, v61;
	v2 =	vadd.f32 v8, v2  }
0x246: {  	v26 =	vsel vm14, $0xFFFFFF82, v62;
	v5 =	vadd.f32 $3.333333430e-01, v5;
	v8 =	vadd.f32 $3.333333430e-01, v9  }
0x247: {  	v9 =	vmul.f32 v10, v59;
	v10 =	vadd.f32 $1.428571490e-01, v21;
	v1 =	vadd.f32 v2, v1  }
0x248: {  	v2 =	vmul.f32 v5, v23;
	v23 =	vimm.s32 $0xFFFFFF81;
	v3 =	vmul.f32 v8, v30  }
0x249: {  	v5 =	vadd.f32 $2.000000030e-01, v9;
	v9 =	vshra.s32 v25, $0x17;
	v21 =	vshra.s32 v27, $0x17  }
0x24a: {  	v8 =	vmul.f32 v10, v61;
	v2 =	vadd.f32 $1.000000000e+00, v2;
	v10 =	vadd.f32 v57, v57  }
0x24b: {  	v9 =	vadd.s32 v9, v35;
	v5 =	vmul.f32 v5, v59;
	v3 =	vadd.f32 $1.000000000e+00, v3  }
0x24c: {  	v9 =	vcvt.s32.f32 v9;
	v8 =	vadd.f32 $2.000000030e-01, v8;
	v2 =	vmul.f32 v2, v10  }
0x24d: {  	v10 =	vshra.s32 v24, $0x17;
	v5 =	vadd.f32 $3.333333430e-01, v5;
	v3 =	vmul.f32 v3, v6  }
0x24e: {  	v6 =	vshra.s32 v22, $0x17;
	v10 =	vadd.s32 v10, v28;
	v8 =	vmul.f32 v8, v61  }
0x24f: {  	v22 =	vsel vm15, $0xFFFFFF82, v23;
	v5 =	vmul.f32 v5, v59;
	v10 =	vcvt.s32.f32 v10  }
0x250: {  	v9 =	vmul.f32 $6.931471820e-01, v9;
	v6 =	vadd.s32 v6, v26;
	v8 =	vadd.f32 $3.333333430e-01, v8  }
0x251: {  	v6 =	vcvt.s32.f32 v6;
	v5 =	vadd.f32 $1.000000000e+00, v5;
	v10 =	vmul.f32 $6.931471820e-01, v10  }
0x252: {  	v21 =	vadd.s32 v21, v22;
	v2 =	vadd.f32 v2, v9;
	v8 =	vmul.f32 v8, v61  }
0x253: {  	v6 =	vmul.f32 $6.931471820e-01, v6;
	v3 =	vadd.f32 v3, v10;
	v4 =	vmul.f32 v5, v4  }
0x254: {  	v0 =	vadd.f32 v1, v0;
	v9 =	vcvt.s32.f32 v21;
	v10 =	vld [tilespmem:$0x1FFF0];
	v8 =	vadd.f32 $1.000000000e+00, v8  }
0x255: {  	v1 =	vadd.f32 v3, v2;
	v2 =	vadd.f32 v4, v6;
	v6 =	vld [tilespmem:$0x1FFC0]  }
0x256: {  	s8 =	sadd.s32 $0x8, s8;
	v4 =	vld [tilespmem:$0x1FFA0];
	v5 =	vmul.f32 v8, v7;
	v7 =	vmul.f32 $6.931471820e-01, v9  }
0x257: {  	p0 =	slt.u32 s8, $0x18;
	v8 =	vld [tilespmem:$0x1FFE0]  }
.Ltmp0:
0x258: {  	v3 =	vadd.f32 v5, v7;
	v7 =	vld [tilespmem:$0x1FFD0];
	(pc) =	sbr.rel @p0 .LBB2_2-.Ltmp0, $4  }
0x259: {  	v5 =	vld [tilespmem:$0x1FFB0]  }
0x25a: {  	v0 =	vadd.f32 v1, v0;
	v1 =	vadd.f32 v3, v2;
	v3 =	vld [tilespmem:$0x1FF90]  }
0x25b: {  	v2 =	vld [tilespmem:$0x1FF80]  }
0x25c: {  	s11 =	sadd.s32 $0x80, s11;
	s10 =	sadd.s32 $0x80, s10;
	s9 =	sadd.s32 $0x80, s9;
	v0 =	vadd.f32 v1, v0;
	v1 =	vld [tilespmem:$0x1FF70]  }
0x25d: {  	_ = 	snop  }
0x25e: {  	s7 =	sadd.s32 $0x1, s7;
	v0 =	vmul.f32 $6.103515630e-05, v0  }
0x25f: {  	p0 =	sne.s32 s7, s25  }
.Ltmp1:
0x260: {  	s8 =	simm.s32 $0x6C00;
	[tilespmem:$0x6C00] =	vst v0;
	(pc) =	sbr.rel @p0 .LBB2_1-.Ltmp1, $4  }
0x261: {  	[hbm4b:s24+s2] =	stream.linear.scatter [tilespmem:s8], [sflag:$0x5], $0x10, $0x38;
	[tilespmem:$0x6C80] =	vst v63  }
0x262: {  	_ =	swait.ge [sflag:s6], $0x10  }
0x263: {  	[sflag:s6] =	ssyncset.done $0x0  }
0x264: {  	[sflag:s6] =	ssyncadd.s32 $0xFFFFFFF0  }
0x265: {  	_ =	sfence.sel $0x180000  }
0x266: {  	[bflag:$0x0] =	sbarrier.arrive $0xFFFF  }
0x267: {  	_ =	strace $0x90000047  }
0x268: {  	s0 =	stileid.u32;
	[bflag:$0x2] =	sbarrier.arrive $0xFFFF  }
0x269: {  	p0 =	sne.s32 s0, $0x0;
	s0 =	rddreg [dreg:$0x4]  }
0x26a: {  	s0 =	sadd.s32 @!p0 $0x100000, s0  }
0x26b: {  	[sflag:s0] =	ssyncadd.tile.s32 @!p0 $0x1;
	_ =	shalt  }
.Lfunc_end2:
_tile_overlayer_lowered:
.L_overlay_start_2:
0x26c: {  	(tag) =	ssettag $0x2  }
0x26d: {  	s0 =	rddreg [dreg:$0x0];
	s2 =	stileid.u32  }
0x26e: {  	s1 =	rddreg [dreg:$0x1];
	p0 =	sne.s32 s2, $0x0  }
0x26f: {  	s3 =	rddreg [dreg:$0x2];
	[bflag:$0x3] =	sbarrier.arrive $0xFFFF;
	s2 =	simm.s32 @!p0 $0x1C05  }
0x270: {  	[timem:s3], [sflag:s2] =	dma.local @!p0 [hbm:s0], s1  }
0x271: {  	s0 =	simm.s32 @!p0 $0x5  }
0x272: {  	_ =	swait.ge @!p0 [sflag:s0], s1  }
0x273: {  	s1 =	ssub.s32 @!p0 $0x0, s1;
	[sflag:s0] =	ssyncset.done @!p0 $0x0  }
0x274: {  	[sflag:s0] =	ssyncadd.s32 @!p0 s1  }
0x275: {  	[bflag:$0x3] =	sbarrier.arrive $0xFFFF  }
0x276: {  	_ =	shalt  }

</sc_bundles>
